<compile_context>
chip_gen: v7x
topology: tpu7x:2x2x1
jax: 0.10.2.dev20260603
libtpu: 0.0.44.dev20260713+nightly
codegen_flags: <defaults>
</compile_context>

<pallas_src>
import functools

import jax
import jax.numpy as jnp
from jax import lax
from jax.experimental import pallas as pl
from jax.experimental.pallas import tpu as pltpu
from jax.experimental.pallas import tpu_sc as plsc

L = 16
CHUNK = 128
EPS = 1e-5


def _rsqrt(v):
    i = lax.bitcast_convert_type(v, jnp.int32)
    i = jnp.int32(0x5F3759DF) - lax.shift_right_logical(i, 1)
    y = lax.bitcast_convert_type(i, jnp.float32)
    hv = 0.5 * v
    y = y * (1.5 - hv * y * y)
    y = y * (1.5 - hv * y * y)
    return y


@functools.lru_cache(maxsize=None)
def _build(B, S, V, H):
    HP = 128
    info = plsc.get_sparse_core_info()
    NC, NS = info.num_cores, info.num_subcores
    NW = NC * NS
    N = B * S
    assert N % (NW * CHUNK) == 0
    rows_w = N // NW
    n_chunks = rows_w // CHUNK
    assert rows_w % S == 0
    KV = H // L
    inv_h = 1.0 / H

    mesh = plsc.VectorSubcoreMesh(core_axis_name="c", subcore_axis_name="s")

    @functools.partial(
        pl.kernel,
        mesh=mesh,
        out_type=jax.ShapeDtypeStruct((N, H), jnp.float32),
        scratch_types=[
            [pltpu.VMEM((CHUNK,), jnp.int32) for _ in range(2)],
            [pltpu.VMEM((CHUNK, HP), jnp.float32) for _ in range(2)],
            [pltpu.VMEM((CHUNK, H), jnp.float32) for _ in range(2)],
            pltpu.VMEM((S, H), jnp.float32),
            pltpu.VMEM((H,), jnp.float32),
            pltpu.VMEM((H,), jnp.float32),
            [pltpu.SemaphoreType.DMA for _ in range(2)],
            [pltpu.SemaphoreType.DMA for _ in range(2)],
            [pltpu.SemaphoreType.DMA for _ in range(2)],
        ],
        compiler_params=pltpu.CompilerParams(
            needs_layout_passes=False, use_tc_tiling_on_sc=True),
    )
    def emb(x_hbm, tok_hbm, pos_hbm, gamma_hbm, beta_hbm, out_hbm,
            idx_v, rows_v, out_v, pos_v, gamma_v, beta_v,
            isem, gsem, osem):
        wid = lax.axis_index("s") * NC + lax.axis_index("c")
        base_w = wid * rows_w

        pltpu.sync_copy(pos_hbm.at[pl.ds(0, S)], pos_v)
        pltpu.sync_copy(gamma_hbm, gamma_v)
        pltpu.sync_copy(beta_hbm, beta_v)
        gs = [gamma_v[pl.ds(k * L, L)] for k in range(KV)]
        bs = [beta_v[pl.ds(k * L, L)] for k in range(KV)]

        def idx_start(g, p):
            pltpu.async_copy(
                x_hbm.at[pl.ds(base_w + g * CHUNK, CHUNK)], idx_v[p], isem[p])

        def idx_wait(g, p):
            pltpu.make_async_copy(
                x_hbm.at[pl.ds(base_w + g * CHUNK, CHUNK)], idx_v[p],
                isem[p]).wait()

        def gather_start(p):
            pltpu.async_copy(tok_hbm.at[idx_v[p]], rows_v[p], gsem[p])

        def gather_wait(p):
            pltpu.make_async_copy(
                tok_hbm.at[idx_v[p]], rows_v[p], gsem[p]).wait()

        def out_start(g, p):
            pltpu.async_copy(
                out_v[p], out_hbm.at[pl.ds(base_w + g * CHUNK, CHUNK)],
                osem[p])

        def out_wait(g, p):
            pltpu.make_async_copy(
                out_v[p], out_hbm.at[pl.ds(base_w + g * CHUNK, CHUNK)],
                osem[p]).wait()

        def compute(g, p):
            rv, ov = rows_v[p], out_v[p]
            s0 = lax.rem(g * CHUNK, S)

            @plsc.parallel_loop(0, CHUNK, 1, unroll=4)
            def row(i):
                s = lax.rem(s0 + i, S)
                hs = [rv[i, pl.ds(k * L, L)] + pos_v[s, pl.ds(k * L, L)]
                      for k in range(KV)]
                tot = (hs[0] + hs[1]) + (hs[2] + hs[3])
                sq = (hs[0] * hs[0] + hs[1] * hs[1]) + \
                     (hs[2] * hs[2] + hs[3] * hs[3])
                s1 = plsc.cumsum(tot)[L - 1]
                s2 = plsc.cumsum(sq)[L - 1]
                mean = s1 * inv_h
                var = s2 * inv_h - mean * mean + EPS
                rstd = _rsqrt(var)
                for k in range(KV):
                    ov[i, pl.ds(k * L, L)] = (hs[k] - mean) * rstd * gs[k] \
                        + bs[k]

        idx_start(0, 0)
        idx_start(1, 1)
        idx_wait(0, 0)
        gather_start(0)

        def step(g, p):
            gather_wait(p)

            @pl.when(g + 2 < n_chunks)
            def _():
                idx_start(g + 2, p)

            @pl.when(g >= 2)
            def _():
                out_wait(g - 2, p)

            compute(g, p)
            out_start(g, p)

            @pl.when(g + 1 < n_chunks)
            def _():
                idx_wait(g + 1, 1 - p)
                gather_start(1 - p)

        def outer(gg, _):
            step(2 * gg, 0)
            step(2 * gg + 1, 1)
            return 0

        lax.fori_loop(0, n_chunks // 2, outer, 0)
        out_wait(n_chunks - 2, 0)
        out_wait(n_chunks - 1, 1)

    return emb


def kernel(x, tok_table, pos_table, gamma, beta):
    B, S = x.shape
    V, H = tok_table.shape
    emb = _build(B, S, V, H)
    tok_pad = jnp.pad(tok_table, ((0, 0), (0, 128 - H)))
    out = emb(x.reshape(B * S), tok_pad, pos_table, gamma, beta)
    return out.reshape(B, S, H)

# --- scband reference (transcript-rebuilt; emitter-appended) ---
"""Pipeline reference for scband-embedding-26010321944979 (READ-ONLY COPY).

The authoritative reference and input builder live on the scoring server;
editing this copy changes nothing except your own understanding.
"""

import jax, jax.numpy as jnp
import numpy as np

VOCAB = 1000000
MAX_LEN = 512
HIDDEN = 64
B, S = 1024, 200

def setup_inputs(seed: int = 0) -> dict:
    key = jax.random.key(seed)
    k1, k2, k3 = jax.random.split(key, 3)
    x = jax.random.randint(k1, (B, S), 0, VOCAB, dtype=jnp.int64 if jax.config.jax_enable_x64 else jnp.int32).astype(jnp.int32)
    tok_table = jax.random.normal(k2, (VOCAB, HIDDEN), dtype=jnp.float32) * 0.02
    pos_table = jax.random.normal(k3, (MAX_LEN, HIDDEN), dtype=jnp.float32) * 0.02
    gamma = jnp.ones((HIDDEN,), dtype=jnp.float32)
    beta = jnp.zeros((HIDDEN,), dtype=jnp.float32)
    return {"x": x, "tok_table": tok_table, "pos_table": pos_table, "gamma": gamma, "beta": beta}

def _layer_norm(h, gamma, beta, eps=1e-5):
    mean = jnp.mean(h, axis=-1, keepdims=True)
    var = jnp.mean((h - mean) ** 2, axis=-1, keepdims=True)
    return (h - mean) / jnp.sqrt(var + eps) * gamma + beta

def reference(x, tok_table, pos_table, gamma, beta):
    seq_len = x.shape[1]
    pos = jnp.arange(seq_len, dtype=jnp.int32)
    tok_emb = jnp.take(tok_table, x, axis=0)
    pos_emb = jnp.take(pos_table, pos, axis=0)[None, :, :]
    embedded = tok_emb + pos_emb
    return _layer_norm(embedded, gamma, beta)

if __name__ == "__main__":
    import jax
    _d = setup_inputs()
    print(jax.jit(kernel)(*tuple(_d.values())))

</pallas_src>

<mosaic_0001>
#map = affine_map<(d0, d1) -> (0)>
#map1 = affine_map<(d0, d1) -> (0, 0)>
module attributes {stable_mosaic.version = 14 : i64} {
  func.func @emb(%arg0: i32, %arg1: i32, %arg2: memref<204800xi32, #tpu.memory_space<hbm>>, %arg3: memref<1000000x128xf32, #tpu.memory_space<hbm>>, %arg4: memref<512x64xf32, #tpu.memory_space<hbm>>, %arg5: memref<64xf32, #tpu.memory_space<hbm>>, %arg6: memref<64xf32, #tpu.memory_space<hbm>>, %arg7: memref<204800x64xf32, #tpu.memory_space<hbm>>, %arg8: memref<128xi32, #tpu.memory_space<vmem>>, %arg9: memref<128xi32, #tpu.memory_space<vmem>>, %arg10: memref<128x128xf32, #tpu.memory_space<vmem>>, %arg11: memref<128x128xf32, #tpu.memory_space<vmem>>, %arg12: memref<128x64xf32, #tpu.memory_space<vmem>>, %arg13: memref<128x64xf32, #tpu.memory_space<vmem>>, %arg14: memref<200x64xf32, #tpu.memory_space<vmem>>, %arg15: memref<64xf32, #tpu.memory_space<vmem>>, %arg16: memref<64xf32, #tpu.memory_space<vmem>>, %arg17: memref<!tpu.dma_semaphore, #tpu.memory_space<semaphore_mem>>, %arg18: memref<!tpu.dma_semaphore, #tpu.memory_space<semaphore_mem>>, %arg19: memref<!tpu.dma_semaphore, #tpu.memory_space<semaphore_mem>>, %arg20: memref<!tpu.dma_semaphore, #tpu.memory_space<semaphore_mem>>, %arg21: memref<!tpu.dma_semaphore, #tpu.memory_space<semaphore_mem>>, %arg22: memref<!tpu.dma_semaphore, #tpu.memory_space<semaphore_mem>>) attributes {dimension_semantics = [#tpu.dimension_semantics<core_parallel>, #tpu.dimension_semantics<subcore_parallel>], iteration_bounds = array<i64: 2, 16>, scalar_prefetch = 0 : i64, scratch_operands = 15 : i64, tpu.core_type = #tpu.core_type<sc_vector_subcore>, window_params = [{transform_indices = #map}, {transform_indices = #map1}, {transform_indices = #map1}, {transform_indices = #map}, {transform_indices = #map}, {transform_indices = #map1}]} {
    %mul3A = arith.constant 2 : i32
    %mul3A_0 = arith.muli %arg1, %mul3A : i32
    %add3A = arith.addi %mul3A_0, %arg0 : i32
    %mul3A_1 = arith.constant 6400 : i32
    %mul3A_2 = arith.muli %add3A, %mul3A_1 : i32
    "tpu.region"() ({
      %run_scoped3A = tpu.sem_alloc : memref<!tpu.dma_semaphore, #tpu.memory_space<semaphore_mem>>
      %dma_start3A_49 = arith.constant 0 : i32
      %dma_start3A_50 = arith.constant 0 : i32
      %dma_start3A_51 = tpu.memref_slice %arg4[%dma_start3A_49, %dma_start3A_50] : memref<512x64xf32, #tpu.memory_space<hbm>> -> memref<200x64xf32, #tpu.memory_space<hbm>>
      %dma_start3A_52 = arith.constant 0 : i32
      %dma_start3A_53 = arith.constant 0 : i32
      %dma_start3A_54 = tpu.memref_slice %arg4[%dma_start3A_52, %dma_start3A_53] : memref<512x64xf32, #tpu.memory_space<hbm>> -> memref<200x64xf32, #tpu.memory_space<hbm>>
      tpu.enqueue_dma source(%dma_start3A_54 : memref<200x64xf32, #tpu.memory_space<hbm>>) target(%arg14 : memref<200x64xf32, #tpu.memory_space<vmem>>) target_semaphore(%run_scoped3A : memref<!tpu.dma_semaphore, #tpu.memory_space<semaphore_mem>>)
      %dma_wait3A_55 = arith.constant 0 : i32
      %dma_wait3A_56 = arith.constant 0 : i32
      %dma_wait3A_57 = tpu.memref_slice %arg4[%dma_wait3A_55, %dma_wait3A_56] : memref<512x64xf32, #tpu.memory_space<hbm>> -> memref<200x64xf32, #tpu.memory_space<hbm>>
      %dma_wait3A_58 = arith.constant 0 : i32
      %dma_wait3A_59 = arith.constant 0 : i32
      %dma_wait3A_60 = tpu.memref_slice %arg4[%dma_wait3A_58, %dma_wait3A_59] : memref<512x64xf32, #tpu.memory_space<hbm>> -> memref<200x64xf32, #tpu.memory_space<hbm>>
      tpu.wait_dma2 semaphore(%run_scoped3A : memref<!tpu.dma_semaphore, #tpu.memory_space<semaphore_mem>>) src(%dma_wait3A_60 : memref<200x64xf32, #tpu.memory_space<hbm>>) dst(%arg14 : memref<200x64xf32, #tpu.memory_space<vmem>>)
      tpu.yield
    }) : () -> ()
    "tpu.region"() ({
      %run_scoped3A = tpu.sem_alloc : memref<!tpu.dma_semaphore, #tpu.memory_space<semaphore_mem>>
      tpu.enqueue_dma source(%arg5 : memref<64xf32, #tpu.memory_space<hbm>>) target(%arg15 : memref<64xf32, #tpu.memory_space<vmem>>) target_semaphore(%run_scoped3A : memref<!tpu.dma_semaphore, #tpu.memory_space<semaphore_mem>>)
      tpu.wait_dma2 semaphore(%run_scoped3A : memref<!tpu.dma_semaphore, #tpu.memory_space<semaphore_mem>>) src(%arg5 : memref<64xf32, #tpu.memory_space<hbm>>) dst(%arg15 : memref<64xf32, #tpu.memory_space<vmem>>)
      tpu.yield
    }) : () -> ()
    "tpu.region"() ({
      %run_scoped3A = tpu.sem_alloc : memref<!tpu.dma_semaphore, #tpu.memory_space<semaphore_mem>>
      tpu.enqueue_dma source(%arg6 : memref<64xf32, #tpu.memory_space<hbm>>) target(%arg16 : memref<64xf32, #tpu.memory_space<vmem>>) target_semaphore(%run_scoped3A : memref<!tpu.dma_semaphore, #tpu.memory_space<semaphore_mem>>)
      tpu.wait_dma2 semaphore(%run_scoped3A : memref<!tpu.dma_semaphore, #tpu.memory_space<semaphore_mem>>) src(%arg6 : memref<64xf32, #tpu.memory_space<hbm>>) dst(%arg16 : memref<64xf32, #tpu.memory_space<vmem>>)
      tpu.yield
    }) : () -> ()
    %get3A = arith.constant 0 : index
    %get3A_3 = tpu.vector_load %arg15[%get3A] {strides = array<i32>} : memref<64xf32, #tpu.memory_space<vmem>>, vector<16xf32>,
    %get3A_4 = arith.constant 16 : index
    %get3A_5 = tpu.vector_load %arg15[%get3A_4] {strides = array<i32>} : memref<64xf32, #tpu.memory_space<vmem>>, vector<16xf32>,
    %get3A_6 = arith.constant 32 : index
    %get3A_7 = tpu.vector_load %arg15[%get3A_6] {strides = array<i32>} : memref<64xf32, #tpu.memory_space<vmem>>, vector<16xf32>,
    %get3A_8 = arith.constant 48 : index
    %get3A_9 = tpu.vector_load %arg15[%get3A_8] {strides = array<i32>} : memref<64xf32, #tpu.memory_space<vmem>>, vector<16xf32>,
    %get3A_10 = arith.constant 0 : index
    %get3A_11 = tpu.vector_load %arg16[%get3A_10] {strides = array<i32>} : memref<64xf32, #tpu.memory_space<vmem>>, vector<16xf32>,
    %get3A_12 = arith.constant 16 : index
    %get3A_13 = tpu.vector_load %arg16[%get3A_12] {strides = array<i32>} : memref<64xf32, #tpu.memory_space<vmem>>, vector<16xf32>,
    %get3A_14 = arith.constant 32 : index
    %get3A_15 = tpu.vector_load %arg16[%get3A_14] {strides = array<i32>} : memref<64xf32, #tpu.memory_space<vmem>>, vector<16xf32>,
    %get3A_16 = arith.constant 48 : index
    %get3A_17 = tpu.vector_load %arg16[%get3A_16] {strides = array<i32>} : memref<64xf32, #tpu.memory_space<vmem>>, vector<16xf32>,
    %add3A_18 = arith.constant 0 : i32
    %add3A_19 = arith.addi %mul3A_2, %add3A_18 : i32
    %dma_start3A = tpu.memref_slice %arg2[%add3A_19] : memref<204800xi32, #tpu.memory_space<hbm>> -> memref<128xi32, #tpu.memory_space<hbm>>
    %dma_start3A_20 = tpu.memref_slice %arg2[%add3A_19] : memref<204800xi32, #tpu.memory_space<hbm>> -> memref<128xi32, #tpu.memory_space<hbm>>
    tpu.enqueue_dma source(%dma_start3A_20 : memref<128xi32, #tpu.memory_space<hbm>>) target(%arg8 : memref<128xi32, #tpu.memory_space<vmem>>) target_semaphore(%arg17 : memref<!tpu.dma_semaphore, #tpu.memory_space<semaphore_mem>>)
    %add3A_21 = arith.constant 128 : i32
    %add3A_22 = arith.addi %mul3A_2, %add3A_21 : i32
    %dma_start3A_23 = tpu.memref_slice %arg2[%add3A_22] : memref<204800xi32, #tpu.memory_space<hbm>> -> memref<128xi32, #tpu.memory_space<hbm>>
    %dma_start3A_24 = tpu.memref_slice %arg2[%add3A_22] : memref<204800xi32, #tpu.memory_space<hbm>> -> memref<128xi32, #tpu.memory_space<hbm>>
    tpu.enqueue_dma source(%dma_start3A_24 : memref<128xi32, #tpu.memory_space<hbm>>) target(%arg9 : memref<128xi32, #tpu.memory_space<vmem>>) target_semaphore(%arg18 : memref<!tpu.dma_semaphore, #tpu.memory_space<semaphore_mem>>)
    %add3A_25 = arith.constant 0 : i32
    %add3A_26 = arith.addi %mul3A_2, %add3A_25 : i32
    %dma_wait3A = tpu.memref_slice %arg2[%add3A_26] : memref<204800xi32, #tpu.memory_space<hbm>> -> memref<128xi32, #tpu.memory_space<hbm>>
    %dma_wait3A_27 = tpu.memref_slice %arg2[%add3A_26] : memref<204800xi32, #tpu.memory_space<hbm>> -> memref<128xi32, #tpu.memory_space<hbm>>
    tpu.wait_dma2 semaphore(%arg17 : memref<!tpu.dma_semaphore, #tpu.memory_space<semaphore_mem>>) src(%dma_wait3A_27 : memref<128xi32, #tpu.memory_space<hbm>>) dst(%arg8 : memref<128xi32, #tpu.memory_space<vmem>>)
    %dma_start3A_28 = arith.constant 0 : i32
    %dma_start3A_29 = arith.constant 0 : i32
    %dma_start3A_30 = tpu.memref_slice %arg3[%dma_start3A_28, %dma_start3A_29] : memref<1000000x128xf32, #tpu.memory_space<hbm>> -> memref<1000000x128xf32, #tpu.memory_space<hbm>>
    tpu.enqueue_indirect_dma source(%dma_start3A_30 : memref<1000000x128xf32, #tpu.memory_space<hbm>>) target(%arg10 : memref<128x128xf32, #tpu.memory_space<vmem>>) offsets(%arg8 : memref<128xi32, #tpu.memory_space<vmem>>) semaphore(%arg19 : memref<!tpu.dma_semaphore, #tpu.memory_space<semaphore_mem>>)
    %scan3A = arith.constant 0 : i32
    %scan3A_31 = arith.constant 0 : i32
    %scan3A_32 = arith.constant 25 : i32
    %scan3A_33 = arith.addi %scan3A_31, %scan3A_32 : i32
    %scan3A_34 = arith.constant 1 : i32
    %scan3A_35 = scf.for %scan3A_49 = %scan3A_31 to %scan3A_33 step %scan3A_34 iter_args(%scan3A_50 = %scan3A) -> (i32)  : i32 {
      %mul3A_51 = arith.constant 2 : i32
      %mul3A_52 = arith.muli %mul3A_51, %scan3A_49 : i32
      %dma_wait3A_53 = arith.constant 0 : i32
      %dma_wait3A_54 = arith.constant 0 : i32
      %dma_wait3A_55 = tpu.memref_slice %arg3[%dma_wait3A_53, %dma_wait3A_54] : memref<1000000x128xf32, #tpu.memory_space<hbm>> -> memref<1000000x128xf32, #tpu.memory_space<hbm>>
      tpu.wait_indirect_dma semaphore(%arg19 : memref<!tpu.dma_semaphore, #tpu.memory_space<semaphore_mem>>) src(%dma_wait3A_55 : memref<1000000x128xf32, #tpu.memory_space<hbm>>) dst(%arg10 : memref<128x128xf32, #tpu.memory_space<vmem>>)
      %add3A_56 = arith.constant 2 : i32
      %add3A_57 = arith.addi %mul3A_52, %add3A_56 : i32
      %lt3A = arith.constant 50 : i32
      %lt3A_58 = arith.cmpi slt, %add3A_57, %lt3A : i32
      %convert_element_type3A = arith.extui %lt3A_58 : i1 to i32
      %cond3A = arith.constant 0 : i32
      %cond3A_59 = arith.cmpi ne, %convert_element_type3A, %cond3A : i32
      scf.if %cond3A_59 {
        %add3A_124 = arith.constant 2 : i32
        %add3A_125 = arith.addi %mul3A_52, %add3A_124 : i32
        %mul3A_126 = arith.constant 128 : i32
        %mul3A_127 = arith.muli %add3A_125, %mul3A_126 : i32
        %add3A_128 = arith.addi %mul3A_2, %mul3A_127 : i32
        %dma_start3A_129 = tpu.memref_slice %arg2[%add3A_128] : memref<204800xi32, #tpu.memory_space<hbm>> -> memref<128xi32, #tpu.memory_space<hbm>>
        %dma_start3A_130 = tpu.memref_slice %arg2[%add3A_128] : memref<204800xi32, #tpu.memory_space<hbm>> -> memref<128xi32, #tpu.memory_space<hbm>>
        tpu.enqueue_dma source(%dma_start3A_130 : memref<128xi32, #tpu.memory_space<hbm>>) target(%arg8 : memref<128xi32, #tpu.memory_space<vmem>>) target_semaphore(%arg17 : memref<!tpu.dma_semaphore, #tpu.memory_space<semaphore_mem>>)
      } else {
      }
      %ge3A = arith.constant 2 : i32
      %ge3A_60 = arith.cmpi sge, %mul3A_52, %ge3A : i32
      %convert_element_type3A_61 = arith.extui %ge3A_60 : i1 to i32
      %cond3A_62 = arith.constant 0 : i32
      %cond3A_63 = arith.cmpi ne, %convert_element_type3A_61, %cond3A_62 : i32
      scf.if %cond3A_63 {
        %sub3A = arith.constant 2 : i32
        %sub3A_124 = arith.subi %mul3A_52, %sub3A : i32
        %mul3A_125 = arith.constant 128 : i32
        %mul3A_126 = arith.muli %sub3A_124, %mul3A_125 : i32
        %add3A_127 = arith.addi %mul3A_2, %mul3A_126 : i32
        %dma_wait3A_128 = arith.constant 0 : i32
        %dma_wait3A_129 = tpu.memref_slice %arg7[%add3A_127, %dma_wait3A_128] : memref<204800x64xf32, #tpu.memory_space<hbm>> -> memref<128x64xf32, #tpu.memory_space<hbm>>
        %dma_wait3A_130 = arith.constant 0 : i32
        %dma_wait3A_131 = tpu.memref_slice %arg7[%add3A_127, %dma_wait3A_130] : memref<204800x64xf32, #tpu.memory_space<hbm>> -> memref<128x64xf32, #tpu.memory_space<hbm>>
        tpu.wait_dma2 semaphore(%arg21 : memref<!tpu.dma_semaphore, #tpu.memory_space<semaphore_mem>>) src(%arg12 : memref<128x64xf32, #tpu.memory_space<vmem>>) dst(%dma_wait3A_131 : memref<128x64xf32, #tpu.memory_space<hbm>>)
      } else {
      }
      %mul3A_64 = arith.constant 128 : i32
      %mul3A_65 = arith.muli %mul3A_52, %mul3A_64 : i32
      %rem3A = arith.constant 200 : i32
      %rem3A_66 = arith.remsi %mul3A_65, %rem3A : i32
      %parallel_loop3A = arith.constant 0 : i32
      %parallel_loop3A_67 = arith.constant 128 : i32
      %parallel_loop3A_68 = arith.constant 1 : i32
      scf.for %parallel_loop3A_124 = %parallel_loop3A to %parallel_loop3A_67 step %parallel_loop3A_68  : i32 {
        %parallel_loop3A_125 = arith.addi %rem3A_66, %parallel_loop3A_124 : i32
        %parallel_loop3A_126 = arith.constant 200 : i32
        %parallel_loop3A_127 = arith.remsi %parallel_loop3A_125, %parallel_loop3A_126 : i32
        %parallel_loop3A_128 = arith.index_cast %parallel_loop3A_124 : i32 to index
        %parallel_loop3A_129 = arith.constant 0 : index
        %parallel_loop3A_130 = tpu.vector_load %arg10[%parallel_loop3A_128, %parallel_loop3A_129] {strides = array<i32>} : memref<128x128xf32, #tpu.memory_space<vmem>>, vector<16xf32>,
        %parallel_loop3A_131 = arith.index_cast %parallel_loop3A_127 : i32 to index
        %parallel_loop3A_132 = arith.constant 0 : index
        %parallel_loop3A_133 = tpu.vector_load %arg14[%parallel_loop3A_131, %parallel_loop3A_132] {strides = array<i32>} : memref<200x64xf32, #tpu.memory_space<vmem>>, vector<16xf32>,
        %parallel_loop3A_134 = arith.addf %parallel_loop3A_130, %parallel_loop3A_133 : vector<16xf32>
        %parallel_loop3A_135 = arith.index_cast %parallel_loop3A_124 : i32 to index
        %parallel_loop3A_136 = arith.constant 16 : index
        %parallel_loop3A_137 = tpu.vector_load %arg10[%parallel_loop3A_135, %parallel_loop3A_136] {strides = array<i32>} : memref<128x128xf32, #tpu.memory_space<vmem>>, vector<16xf32>,
        %parallel_loop3A_138 = arith.index_cast %parallel_loop3A_127 : i32 to index
        %parallel_loop3A_139 = arith.constant 16 : index
        %parallel_loop3A_140 = tpu.vector_load %arg14[%parallel_loop3A_138, %parallel_loop3A_139] {strides = array<i32>} : memref<200x64xf32, #tpu.memory_space<vmem>>, vector<16xf32>,
        %parallel_loop3A_141 = arith.addf %parallel_loop3A_137, %parallel_loop3A_140 : vector<16xf32>
        %parallel_loop3A_142 = arith.index_cast %parallel_loop3A_124 : i32 to index
        %parallel_loop3A_143 = arith.constant 32 : index
        %parallel_loop3A_144 = tpu.vector_load %arg10[%parallel_loop3A_142, %parallel_loop3A_143] {strides = array<i32>} : memref<128x128xf32, #tpu.memory_space<vmem>>, vector<16xf32>,
        %parallel_loop3A_145 = arith.index_cast %parallel_loop3A_127 : i32 to index
        %parallel_loop3A_146 = arith.constant 32 : index
        %parallel_loop3A_147 = tpu.vector_load %arg14[%parallel_loop3A_145, %parallel_loop3A_146] {strides = array<i32>} : memref<200x64xf32, #tpu.memory_space<vmem>>, vector<16xf32>,
        %parallel_loop3A_148 = arith.addf %parallel_loop3A_144, %parallel_loop3A_147 : vector<16xf32>
        %parallel_loop3A_149 = arith.index_cast %parallel_loop3A_124 : i32 to index
        %parallel_loop3A_150 = arith.constant 48 : index
        %parallel_loop3A_151 = tpu.vector_load %arg10[%parallel_loop3A_149, %parallel_loop3A_150] {strides = array<i32>} : memref<128x128xf32, #tpu.memory_space<vmem>>, vector<16xf32>,
        %parallel_loop3A_152 = arith.index_cast %parallel_loop3A_127 : i32 to index
        %parallel_loop3A_153 = arith.constant 48 : index
        %parallel_loop3A_154 = tpu.vector_load %arg14[%parallel_loop3A_152, %parallel_loop3A_153] {strides = array<i32>} : memref<200x64xf32, #tpu.memory_space<vmem>>, vector<16xf32>,
        %parallel_loop3A_155 = arith.addf %parallel_loop3A_151, %parallel_loop3A_154 : vector<16xf32>
        %parallel_loop3A_156 = arith.addf %parallel_loop3A_134, %parallel_loop3A_141 : vector<16xf32>
        %parallel_loop3A_157 = arith.addf %parallel_loop3A_148, %parallel_loop3A_155 : vector<16xf32>
        %parallel_loop3A_158 = arith.addf %parallel_loop3A_156, %parallel_loop3A_157 : vector<16xf32>
        %parallel_loop3A_159 = arith.mulf %parallel_loop3A_134, %parallel_loop3A_134 : vector<16xf32>
        %parallel_loop3A_160 = arith.mulf %parallel_loop3A_141, %parallel_loop3A_141 : vector<16xf32>
        %parallel_loop3A_161 = arith.addf %parallel_loop3A_159, %parallel_loop3A_160 : vector<16xf32>
        %parallel_loop3A_162 = arith.mulf %parallel_loop3A_148, %parallel_loop3A_148 : vector<16xf32>
        %parallel_loop3A_163 = arith.mulf %parallel_loop3A_155, %parallel_loop3A_155 : vector<16xf32>
        %parallel_loop3A_164 = arith.addf %parallel_loop3A_162, %parallel_loop3A_163 : vector<16xf32>
        %parallel_loop3A_165 = arith.addf %parallel_loop3A_161, %parallel_loop3A_164 : vector<16xf32>
        %parallel_loop3A_166 = arith.constant true
        %parallel_loop3A_167 = vector.broadcast %parallel_loop3A_166 : i1 to vector<16xi1>
        %parallel_loop3A_168 = tpu.scan <sum>, %parallel_loop3A_158 masked %parallel_loop3A_167 : vector<16xf32>, vector<16xi1> -> vector<16xf32>
        %parallel_loop3A_169 = vector.extract_strided_slice %parallel_loop3A_168 {offsets = [15], sizes = [1], strides = [1]} : vector<16xf32> to vector<1xf32>
        %parallel_loop3A_170 = vector.extract %parallel_loop3A_169[0] : f32 from vector<1xf32>
        %parallel_loop3A_171 = arith.constant true
        %parallel_loop3A_172 = vector.broadcast %parallel_loop3A_171 : i1 to vector<16xi1>
        %parallel_loop3A_173 = tpu.scan <sum>, %parallel_loop3A_165 masked %parallel_loop3A_172 : vector<16xf32>, vector<16xi1> -> vector<16xf32>
        %parallel_loop3A_174 = vector.extract_strided_slice %parallel_loop3A_173 {offsets = [15], sizes = [1], strides = [1]} : vector<16xf32> to vector<1xf32>
        %parallel_loop3A_175 = vector.extract %parallel_loop3A_174[0] : f32 from vector<1xf32>
        %parallel_loop3A_176 = arith.constant 1.562500e-02 : f32
        %parallel_loop3A_177 = arith.mulf %parallel_loop3A_170, %parallel_loop3A_176 : f32
        %parallel_loop3A_178 = arith.constant 1.562500e-02 : f32
        %parallel_loop3A_179 = arith.mulf %parallel_loop3A_175, %parallel_loop3A_178 : f32
        %parallel_loop3A_180 = arith.mulf %parallel_loop3A_177, %parallel_loop3A_177 : f32
        %parallel_loop3A_181 = arith.subf %parallel_loop3A_179, %parallel_loop3A_180 : f32
        %parallel_loop3A_182 = arith.constant 9.99999974E-6 : f32
        %parallel_loop3A_183 = arith.addf %parallel_loop3A_181, %parallel_loop3A_182 : f32
        %parallel_loop3A_184 = arith.bitcast %parallel_loop3A_183 : f32 to i32
        %parallel_loop3A_185 = arith.constant 1 : i32
        %parallel_loop3A_186 = arith.shrui %parallel_loop3A_184, %parallel_loop3A_185 : i32
        %parallel_loop3A_187 = arith.constant 1597463007 : i32
        %parallel_loop3A_188 = arith.subi %parallel_loop3A_187, %parallel_loop3A_186 : i32
        %parallel_loop3A_189 = arith.bitcast %parallel_loop3A_188 : i32 to f32
        %parallel_loop3A_190 = arith.constant 5.000000e-01 : f32
        %parallel_loop3A_191 = arith.mulf %parallel_loop3A_190, %parallel_loop3A_183 : f32
        %parallel_loop3A_192 = arith.mulf %parallel_loop3A_191, %parallel_loop3A_189 : f32
        %parallel_loop3A_193 = arith.mulf %parallel_loop3A_192, %parallel_loop3A_189 : f32
        %parallel_loop3A_194 = arith.constant 1.500000e+00 : f32
        %parallel_loop3A_195 = arith.subf %parallel_loop3A_194, %parallel_loop3A_193 : f32
        %parallel_loop3A_196 = arith.mulf %parallel_loop3A_189, %parallel_loop3A_195 : f32
        %parallel_loop3A_197 = arith.mulf %parallel_loop3A_191, %parallel_loop3A_196 : f32
        %parallel_loop3A_198 = arith.mulf %parallel_loop3A_197, %parallel_loop3A_196 : f32
        %parallel_loop3A_199 = arith.constant 1.500000e+00 : f32
        %parallel_loop3A_200 = arith.subf %parallel_loop3A_199, %parallel_loop3A_198 : f32
        %parallel_loop3A_201 = arith.mulf %parallel_loop3A_196, %parallel_loop3A_200 : f32
        %parallel_loop3A_202 = vector.broadcast %parallel_loop3A_177 : f32 to vector<16xf32>
        %parallel_loop3A_203 = arith.subf %parallel_loop3A_134, %parallel_loop3A_202 : vector<16xf32>
        %parallel_loop3A_204 = vector.broadcast %parallel_loop3A_201 : f32 to vector<16xf32>
        %parallel_loop3A_205 = arith.mulf %parallel_loop3A_203, %parallel_loop3A_204 : vector<16xf32>
        %parallel_loop3A_206 = arith.mulf %parallel_loop3A_205, %get3A_3 : vector<16xf32>
        %parallel_loop3A_207 = arith.addf %parallel_loop3A_206, %get3A_11 : vector<16xf32>
        %parallel_loop3A_208 = arith.index_cast %parallel_loop3A_124 : i32 to index
        %parallel_loop3A_209 = arith.constant 0 : index
        %parallel_loop3A_210 = tpu.vector_load %arg12[%parallel_loop3A_208, %parallel_loop3A_209] {strides = array<i32>} : memref<128x64xf32, #tpu.memory_space<vmem>>, vector<16xf32>,
        tpu.vector_store %arg12[%parallel_loop3A_208, %parallel_loop3A_209], %parallel_loop3A_207 {strides = array<i32>} : memref<128x64xf32, #tpu.memory_space<vmem>>, vector<16xf32>,
        %parallel_loop3A_211 = vector.broadcast %parallel_loop3A_177 : f32 to vector<16xf32>
        %parallel_loop3A_212 = arith.subf %parallel_loop3A_141, %parallel_loop3A_211 : vector<16xf32>
        %parallel_loop3A_213 = vector.broadcast %parallel_loop3A_201 : f32 to vector<16xf32>
        %parallel_loop3A_214 = arith.mulf %parallel_loop3A_212, %parallel_loop3A_213 : vector<16xf32>
        %parallel_loop3A_215 = arith.mulf %parallel_loop3A_214, %get3A_5 : vector<16xf32>
        %parallel_loop3A_216 = arith.addf %parallel_loop3A_215, %get3A_13 : vector<16xf32>
        %parallel_loop3A_217 = arith.index_cast %parallel_loop3A_124 : i32 to index
        %parallel_loop3A_218 = arith.constant 16 : index
        %parallel_loop3A_219 = tpu.vector_load %arg12[%parallel_loop3A_217, %parallel_loop3A_218] {strides = array<i32>} : memref<128x64xf32, #tpu.memory_space<vmem>>, vector<16xf32>,
        tpu.vector_store %arg12[%parallel_loop3A_217, %parallel_loop3A_218], %parallel_loop3A_216 {strides = array<i32>} : memref<128x64xf32, #tpu.memory_space<vmem>>, vector<16xf32>,
        %parallel_loop3A_220 = vector.broadcast %parallel_loop3A_177 : f32 to vector<16xf32>
        %parallel_loop3A_221 = arith.subf %parallel_loop3A_148, %parallel_loop3A_220 : vector<16xf32>
        %parallel_loop3A_222 = vector.broadcast %parallel_loop3A_201 : f32 to vector<16xf32>
        %parallel_loop3A_223 = arith.mulf %parallel_loop3A_221, %parallel_loop3A_222 : vector<16xf32>
        %parallel_loop3A_224 = arith.mulf %parallel_loop3A_223, %get3A_7 : vector<16xf32>
        %parallel_loop3A_225 = arith.addf %parallel_loop3A_224, %get3A_15 : vector<16xf32>
        %parallel_loop3A_226 = arith.index_cast %parallel_loop3A_124 : i32 to index
        %parallel_loop3A_227 = arith.constant 32 : index
        %parallel_loop3A_228 = tpu.vector_load %arg12[%parallel_loop3A_226, %parallel_loop3A_227] {strides = array<i32>} : memref<128x64xf32, #tpu.memory_space<vmem>>, vector<16xf32>,
        tpu.vector_store %arg12[%parallel_loop3A_226, %parallel_loop3A_227], %parallel_loop3A_225 {strides = array<i32>} : memref<128x64xf32, #tpu.memory_space<vmem>>, vector<16xf32>,
        %parallel_loop3A_229 = vector.broadcast %parallel_loop3A_177 : f32 to vector<16xf32>
        %parallel_loop3A_230 = arith.subf %parallel_loop3A_155, %parallel_loop3A_229 : vector<16xf32>
        %parallel_loop3A_231 = vector.broadcast %parallel_loop3A_201 : f32 to vector<16xf32>
        %parallel_loop3A_232 = arith.mulf %parallel_loop3A_230, %parallel_loop3A_231 : vector<16xf32>
        %parallel_loop3A_233 = arith.mulf %parallel_loop3A_232, %get3A_9 : vector<16xf32>
        %parallel_loop3A_234 = arith.addf %parallel_loop3A_233, %get3A_17 : vector<16xf32>
        %parallel_loop3A_235 = arith.index_cast %parallel_loop3A_124 : i32 to index
        %parallel_loop3A_236 = arith.constant 48 : index
        %parallel_loop3A_237 = tpu.vector_load %arg12[%parallel_loop3A_235, %parallel_loop3A_236] {strides = array<i32>} : memref<128x64xf32, #tpu.memory_space<vmem>>, vector<16xf32>,
        tpu.vector_store %arg12[%parallel_loop3A_235, %parallel_loop3A_236], %parallel_loop3A_234 {strides = array<i32>} : memref<128x64xf32, #tpu.memory_space<vmem>>, vector<16xf32>,
      } {sc.loop_unroll_factor = 4 : i64, sc.parallel_access}
      %mul3A_69 = arith.constant 128 : i32
      %mul3A_70 = arith.muli %mul3A_52, %mul3A_69 : i32
      %add3A_71 = arith.addi %mul3A_2, %mul3A_70 : i32
      %dma_start3A_72 = arith.constant 0 : i32
      %dma_start3A_73 = tpu.memref_slice %arg7[%add3A_71, %dma_start3A_72] : memref<204800x64xf32, #tpu.memory_space<hbm>> -> memref<128x64xf32, #tpu.memory_space<hbm>>
      %dma_start3A_74 = arith.constant 0 : i32
      %dma_start3A_75 = tpu.memref_slice %arg7[%add3A_71, %dma_start3A_74] : memref<204800x64xf32, #tpu.memory_space<hbm>> -> memref<128x64xf32, #tpu.memory_space<hbm>>
      tpu.enqueue_dma source(%arg12 : memref<128x64xf32, #tpu.memory_space<vmem>>) target(%dma_start3A_75 : memref<128x64xf32, #tpu.memory_space<hbm>>) target_semaphore(%arg21 : memref<!tpu.dma_semaphore, #tpu.memory_space<semaphore_mem>>)
      %add3A_76 = arith.constant 1 : i32
      %add3A_77 = arith.addi %mul3A_52, %add3A_76 : i32
      %lt3A_78 = arith.constant 50 : i32
      %lt3A_79 = arith.cmpi slt, %add3A_77, %lt3A_78 : i32
      %convert_element_type3A_80 = arith.extui %lt3A_79 : i1 to i32
      %cond3A_81 = arith.constant 0 : i32
      %cond3A_82 = arith.cmpi ne, %convert_element_type3A_80, %cond3A_81 : i32
      scf.if %cond3A_82 {
        %add3A_124 = arith.constant 1 : i32
        %add3A_125 = arith.addi %mul3A_52, %add3A_124 : i32
        %mul3A_126 = arith.constant 128 : i32
        %mul3A_127 = arith.muli %add3A_125, %mul3A_126 : i32
        %add3A_128 = arith.addi %mul3A_2, %mul3A_127 : i32
        %dma_wait3A_129 = tpu.memref_slice %arg2[%add3A_128] : memref<204800xi32, #tpu.memory_space<hbm>> -> memref<128xi32, #tpu.memory_space<hbm>>
        %dma_wait3A_130 = tpu.memref_slice %arg2[%add3A_128] : memref<204800xi32, #tpu.memory_space<hbm>> -> memref<128xi32, #tpu.memory_space<hbm>>
        tpu.wait_dma2 semaphore(%arg18 : memref<!tpu.dma_semaphore, #tpu.memory_space<semaphore_mem>>) src(%dma_wait3A_130 : memref<128xi32, #tpu.memory_space<hbm>>) dst(%arg9 : memref<128xi32, #tpu.memory_space<vmem>>)
        %dma_start3A_131 = arith.constant 0 : i32
        %dma_start3A_132 = arith.constant 0 : i32
        %dma_start3A_133 = tpu.memref_slice %arg3[%dma_start3A_131, %dma_start3A_132] : memref<1000000x128xf32, #tpu.memory_space<hbm>> -> memref<1000000x128xf32, #tpu.memory_space<hbm>>
        tpu.enqueue_indirect_dma source(%dma_start3A_133 : memref<1000000x128xf32, #tpu.memory_space<hbm>>) target(%arg11 : memref<128x128xf32, #tpu.memory_space<vmem>>) offsets(%arg9 : memref<128xi32, #tpu.memory_space<vmem>>) semaphore(%arg20 : memref<!tpu.dma_semaphore, #tpu.memory_space<semaphore_mem>>)
      } else {
      }
      %mul3A_83 = arith.constant 2 : i32
      %mul3A_84 = arith.muli %mul3A_83, %scan3A_49 : i32
      %add3A_85 = arith.constant 1 : i32
      %add3A_86 = arith.addi %mul3A_84, %add3A_85 : i32
      %dma_wait3A_87 = arith.constant 0 : i32
      %dma_wait3A_88 = arith.constant 0 : i32
      %dma_wait3A_89 = tpu.memref_slice %arg3[%dma_wait3A_87, %dma_wait3A_88] : memref<1000000x128xf32, #tpu.memory_space<hbm>> -> memref<1000000x128xf32, #tpu.memory_space<hbm>>
      tpu.wait_indirect_dma semaphore(%arg20 : memref<!tpu.dma_semaphore, #tpu.memory_space<semaphore_mem>>) src(%dma_wait3A_89 : memref<1000000x128xf32, #tpu.memory_space<hbm>>) dst(%arg11 : memref<128x128xf32, #tpu.memory_space<vmem>>)
      %add3A_90 = arith.constant 2 : i32
      %add3A_91 = arith.addi %add3A_86, %add3A_90 : i32
      %lt3A_92 = arith.constant 50 : i32
      %lt3A_93 = arith.cmpi slt, %add3A_91, %lt3A_92 : i32
      %convert_element_type3A_94 = arith.extui %lt3A_93 : i1 to i32
      %cond3A_95 = arith.constant 0 : i32
      %cond3A_96 = arith.cmpi ne, %convert_element_type3A_94, %cond3A_95 : i32
      scf.if %cond3A_96 {
        %add3A_124 = arith.constant 2 : i32
        %add3A_125 = arith.addi %add3A_86, %add3A_124 : i32
        %mul3A_126 = arith.constant 128 : i32
        %mul3A_127 = arith.muli %add3A_125, %mul3A_126 : i32
        %add3A_128 = arith.addi %mul3A_2, %mul3A_127 : i32
        %dma_start3A_129 = tpu.memref_slice %arg2[%add3A_128] : memref<204800xi32, #tpu.memory_space<hbm>> -> memref<128xi32, #tpu.memory_space<hbm>>
        %dma_start3A_130 = tpu.memref_slice %arg2[%add3A_128] : memref<204800xi32, #tpu.memory_space<hbm>> -> memref<128xi32, #tpu.memory_space<hbm>>
        tpu.enqueue_dma source(%dma_start3A_130 : memref<128xi32, #tpu.memory_space<hbm>>) target(%arg9 : memref<128xi32, #tpu.memory_space<vmem>>) target_semaphore(%arg18 : memref<!tpu.dma_semaphore, #tpu.memory_space<semaphore_mem>>)
      } else {
      }
      %ge3A_97 = arith.constant 2 : i32
      %ge3A_98 = arith.cmpi sge, %add3A_86, %ge3A_97 : i32
      %convert_element_type3A_99 = arith.extui %ge3A_98 : i1 to i32
      %cond3A_100 = arith.constant 0 : i32
      %cond3A_101 = arith.cmpi ne, %convert_element_type3A_99, %cond3A_100 : i32
      scf.if %cond3A_101 {
        %sub3A = arith.constant 2 : i32
        %sub3A_124 = arith.subi %add3A_86, %sub3A : i32
        %mul3A_125 = arith.constant 128 : i32
        %mul3A_126 = arith.muli %sub3A_124, %mul3A_125 : i32
        %add3A_127 = arith.addi %mul3A_2, %mul3A_126 : i32
        %dma_wait3A_128 = arith.constant 0 : i32
        %dma_wait3A_129 = tpu.memref_slice %arg7[%add3A_127, %dma_wait3A_128] : memref<204800x64xf32, #tpu.memory_space<hbm>> -> memref<128x64xf32, #tpu.memory_space<hbm>>
        %dma_wait3A_130 = arith.constant 0 : i32
        %dma_wait3A_131 = tpu.memref_slice %arg7[%add3A_127, %dma_wait3A_130] : memref<204800x64xf32, #tpu.memory_space<hbm>> -> memref<128x64xf32, #tpu.memory_space<hbm>>
        tpu.wait_dma2 semaphore(%arg22 : memref<!tpu.dma_semaphore, #tpu.memory_space<semaphore_mem>>) src(%arg13 : memref<128x64xf32, #tpu.memory_space<vmem>>) dst(%dma_wait3A_131 : memref<128x64xf32, #tpu.memory_space<hbm>>)
      } else {
      }
      %mul3A_102 = arith.constant 128 : i32
      %mul3A_103 = arith.muli %add3A_86, %mul3A_102 : i32
      %rem3A_104 = arith.constant 200 : i32
      %rem3A_105 = arith.remsi %mul3A_103, %rem3A_104 : i32
      %parallel_loop3A_106 = arith.constant 0 : i32
      %parallel_loop3A_107 = arith.constant 128 : i32
      %parallel_loop3A_108 = arith.constant 1 : i32
      scf.for %parallel_loop3A_124 = %parallel_loop3A_106 to %parallel_loop3A_107 step %parallel_loop3A_108  : i32 {
        %parallel_loop3A_125 = arith.addi %rem3A_105, %parallel_loop3A_124 : i32
        %parallel_loop3A_126 = arith.constant 200 : i32
        %parallel_loop3A_127 = arith.remsi %parallel_loop3A_125, %parallel_loop3A_126 : i32
        %parallel_loop3A_128 = arith.index_cast %parallel_loop3A_124 : i32 to index
        %parallel_loop3A_129 = arith.constant 0 : index
        %parallel_loop3A_130 = tpu.vector_load %arg11[%parallel_loop3A_128, %parallel_loop3A_129] {strides = array<i32>} : memref<128x128xf32, #tpu.memory_space<vmem>>, vector<16xf32>,
        %parallel_loop3A_131 = arith.index_cast %parallel_loop3A_127 : i32 to index
        %parallel_loop3A_132 = arith.constant 0 : index
        %parallel_loop3A_133 = tpu.vector_load %arg14[%parallel_loop3A_131, %parallel_loop3A_132] {strides = array<i32>} : memref<200x64xf32, #tpu.memory_space<vmem>>, vector<16xf32>,
        %parallel_loop3A_134 = arith.addf %parallel_loop3A_130, %parallel_loop3A_133 : vector<16xf32>
        %parallel_loop3A_135 = arith.index_cast %parallel_loop3A_124 : i32 to index
        %parallel_loop3A_136 = arith.constant 16 : index
        %parallel_loop3A_137 = tpu.vector_load %arg11[%parallel_loop3A_135, %parallel_loop3A_136] {strides = array<i32>} : memref<128x128xf32, #tpu.memory_space<vmem>>, vector<16xf32>,
        %parallel_loop3A_138 = arith.index_cast %parallel_loop3A_127 : i32 to index
        %parallel_loop3A_139 = arith.constant 16 : index
        %parallel_loop3A_140 = tpu.vector_load %arg14[%parallel_loop3A_138, %parallel_loop3A_139] {strides = array<i32>} : memref<200x64xf32, #tpu.memory_space<vmem>>, vector<16xf32>,
        %parallel_loop3A_141 = arith.addf %parallel_loop3A_137, %parallel_loop3A_140 : vector<16xf32>
        %parallel_loop3A_142 = arith.index_cast %parallel_loop3A_124 : i32 to index
        %parallel_loop3A_143 = arith.constant 32 : index
        %parallel_loop3A_144 = tpu.vector_load %arg11[%parallel_loop3A_142, %parallel_loop3A_143] {strides = array<i32>} : memref<128x128xf32, #tpu.memory_space<vmem>>, vector<16xf32>,
        %parallel_loop3A_145 = arith.index_cast %parallel_loop3A_127 : i32 to index
        %parallel_loop3A_146 = arith.constant 32 : index
        %parallel_loop3A_147 = tpu.vector_load %arg14[%parallel_loop3A_145, %parallel_loop3A_146] {strides = array<i32>} : memref<200x64xf32, #tpu.memory_space<vmem>>, vector<16xf32>,
        %parallel_loop3A_148 = arith.addf %parallel_loop3A_144, %parallel_loop3A_147 : vector<16xf32>
        %parallel_loop3A_149 = arith.index_cast %parallel_loop3A_124 : i32 to index
        %parallel_loop3A_150 = arith.constant 48 : index
        %parallel_loop3A_151 = tpu.vector_load %arg11[%parallel_loop3A_149, %parallel_loop3A_150] {strides = array<i32>} : memref<128x128xf32, #tpu.memory_space<vmem>>, vector<16xf32>,
        %parallel_loop3A_152 = arith.index_cast %parallel_loop3A_127 : i32 to index
        %parallel_loop3A_153 = arith.constant 48 : index
        %parallel_loop3A_154 = tpu.vector_load %arg14[%parallel_loop3A_152, %parallel_loop3A_153] {strides = array<i32>} : memref<200x64xf32, #tpu.memory_space<vmem>>, vector<16xf32>,
        %parallel_loop3A_155 = arith.addf %parallel_loop3A_151, %parallel_loop3A_154 : vector<16xf32>
        %parallel_loop3A_156 = arith.addf %parallel_loop3A_134, %parallel_loop3A_141 : vector<16xf32>
        %parallel_loop3A_157 = arith.addf %parallel_loop3A_148, %parallel_loop3A_155 : vector<16xf32>
        %parallel_loop3A_158 = arith.addf %parallel_loop3A_156, %parallel_loop3A_157 : vector<16xf32>
        %parallel_loop3A_159 = arith.mulf %parallel_loop3A_134, %parallel_loop3A_134 : vector<16xf32>
        %parallel_loop3A_160 = arith.mulf %parallel_loop3A_141, %parallel_loop3A_141 : vector<16xf32>
        %parallel_loop3A_161 = arith.addf %parallel_loop3A_159, %parallel_loop3A_160 : vector<16xf32>
        %parallel_loop3A_162 = arith.mulf %parallel_loop3A_148, %parallel_loop3A_148 : vector<16xf32>
        %parallel_loop3A_163 = arith.mulf %parallel_loop3A_155, %parallel_loop3A_155 : vector<16xf32>
        %parallel_loop3A_164 = arith.addf %parallel_loop3A_162, %parallel_loop3A_163 : vector<16xf32>
        %parallel_loop3A_165 = arith.addf %parallel_loop3A_161, %parallel_loop3A_164 : vector<16xf32>
        %parallel_loop3A_166 = arith.constant true
        %parallel_loop3A_167 = vector.broadcast %parallel_loop3A_166 : i1 to vector<16xi1>
        %parallel_loop3A_168 = tpu.scan <sum>, %parallel_loop3A_158 masked %parallel_loop3A_167 : vector<16xf32>, vector<16xi1> -> vector<16xf32>
        %parallel_loop3A_169 = vector.extract_strided_slice %parallel_loop3A_168 {offsets = [15], sizes = [1], strides = [1]} : vector<16xf32> to vector<1xf32>
        %parallel_loop3A_170 = vector.extract %parallel_loop3A_169[0] : f32 from vector<1xf32>
        %parallel_loop3A_171 = arith.constant true
        %parallel_loop3A_172 = vector.broadcast %parallel_loop3A_171 : i1 to vector<16xi1>
        %parallel_loop3A_173 = tpu.scan <sum>, %parallel_loop3A_165 masked %parallel_loop3A_172 : vector<16xf32>, vector<16xi1> -> vector<16xf32>
        %parallel_loop3A_174 = vector.extract_strided_slice %parallel_loop3A_173 {offsets = [15], sizes = [1], strides = [1]} : vector<16xf32> to vector<1xf32>
        %parallel_loop3A_175 = vector.extract %parallel_loop3A_174[0] : f32 from vector<1xf32>
        %parallel_loop3A_176 = arith.constant 1.562500e-02 : f32
        %parallel_loop3A_177 = arith.mulf %parallel_loop3A_170, %parallel_loop3A_176 : f32
        %parallel_loop3A_178 = arith.constant 1.562500e-02 : f32
        %parallel_loop3A_179 = arith.mulf %parallel_loop3A_175, %parallel_loop3A_178 : f32
        %parallel_loop3A_180 = arith.mulf %parallel_loop3A_177, %parallel_loop3A_177 : f32
        %parallel_loop3A_181 = arith.subf %parallel_loop3A_179, %parallel_loop3A_180 : f32
        %parallel_loop3A_182 = arith.constant 9.99999974E-6 : f32
        %parallel_loop3A_183 = arith.addf %parallel_loop3A_181, %parallel_loop3A_182 : f32
        %parallel_loop3A_184 = arith.bitcast %parallel_loop3A_183 : f32 to i32
        %parallel_loop3A_185 = arith.constant 1 : i32
        %parallel_loop3A_186 = arith.shrui %parallel_loop3A_184, %parallel_loop3A_185 : i32
        %parallel_loop3A_187 = arith.constant 1597463007 : i32
        %parallel_loop3A_188 = arith.subi %parallel_loop3A_187, %parallel_loop3A_186 : i32
        %parallel_loop3A_189 = arith.bitcast %parallel_loop3A_188 : i32 to f32
        %parallel_loop3A_190 = arith.constant 5.000000e-01 : f32
        %parallel_loop3A_191 = arith.mulf %parallel_loop3A_190, %parallel_loop3A_183 : f32
        %parallel_loop3A_192 = arith.mulf %parallel_loop3A_191, %parallel_loop3A_189 : f32
        %parallel_loop3A_193 = arith.mulf %parallel_loop3A_192, %parallel_loop3A_189 : f32
        %parallel_loop3A_194 = arith.constant 1.500000e+00 : f32
        %parallel_loop3A_195 = arith.subf %parallel_loop3A_194, %parallel_loop3A_193 : f32
        %parallel_loop3A_196 = arith.mulf %parallel_loop3A_189, %parallel_loop3A_195 : f32
        %parallel_loop3A_197 = arith.mulf %parallel_loop3A_191, %parallel_loop3A_196 : f32
        %parallel_loop3A_198 = arith.mulf %parallel_loop3A_197, %parallel_loop3A_196 : f32
        %parallel_loop3A_199 = arith.constant 1.500000e+00 : f32
        %parallel_loop3A_200 = arith.subf %parallel_loop3A_199, %parallel_loop3A_198 : f32
        %parallel_loop3A_201 = arith.mulf %parallel_loop3A_196, %parallel_loop3A_200 : f32
        %parallel_loop3A_202 = vector.broadcast %parallel_loop3A_177 : f32 to vector<16xf32>
        %parallel_loop3A_203 = arith.subf %parallel_loop3A_134, %parallel_loop3A_202 : vector<16xf32>
        %parallel_loop3A_204 = vector.broadcast %parallel_loop3A_201 : f32 to vector<16xf32>
        %parallel_loop3A_205 = arith.mulf %parallel_loop3A_203, %parallel_loop3A_204 : vector<16xf32>
        %parallel_loop3A_206 = arith.mulf %parallel_loop3A_205, %get3A_3 : vector<16xf32>
        %parallel_loop3A_207 = arith.addf %parallel_loop3A_206, %get3A_11 : vector<16xf32>
        %parallel_loop3A_208 = arith.index_cast %parallel_loop3A_124 : i32 to index
        %parallel_loop3A_209 = arith.constant 0 : index
        %parallel_loop3A_210 = tpu.vector_load %arg13[%parallel_loop3A_208, %parallel_loop3A_209] {strides = array<i32>} : memref<128x64xf32, #tpu.memory_space<vmem>>, vector<16xf32>,
        tpu.vector_store %arg13[%parallel_loop3A_208, %parallel_loop3A_209], %parallel_loop3A_207 {strides = array<i32>} : memref<128x64xf32, #tpu.memory_space<vmem>>, vector<16xf32>,
        %parallel_loop3A_211 = vector.broadcast %parallel_loop3A_177 : f32 to vector<16xf32>
        %parallel_loop3A_212 = arith.subf %parallel_loop3A_141, %parallel_loop3A_211 : vector<16xf32>
        %parallel_loop3A_213 = vector.broadcast %parallel_loop3A_201 : f32 to vector<16xf32>
        %parallel_loop3A_214 = arith.mulf %parallel_loop3A_212, %parallel_loop3A_213 : vector<16xf32>
        %parallel_loop3A_215 = arith.mulf %parallel_loop3A_214, %get3A_5 : vector<16xf32>
        %parallel_loop3A_216 = arith.addf %parallel_loop3A_215, %get3A_13 : vector<16xf32>
        %parallel_loop3A_217 = arith.index_cast %parallel_loop3A_124 : i32 to index
        %parallel_loop3A_218 = arith.constant 16 : index
        %parallel_loop3A_219 = tpu.vector_load %arg13[%parallel_loop3A_217, %parallel_loop3A_218] {strides = array<i32>} : memref<128x64xf32, #tpu.memory_space<vmem>>, vector<16xf32>,
        tpu.vector_store %arg13[%parallel_loop3A_217, %parallel_loop3A_218], %parallel_loop3A_216 {strides = array<i32>} : memref<128x64xf32, #tpu.memory_space<vmem>>, vector<16xf32>,
        %parallel_loop3A_220 = vector.broadcast %parallel_loop3A_177 : f32 to vector<16xf32>
        %parallel_loop3A_221 = arith.subf %parallel_loop3A_148, %parallel_loop3A_220 : vector<16xf32>
        %parallel_loop3A_222 = vector.broadcast %parallel_loop3A_201 : f32 to vector<16xf32>
        %parallel_loop3A_223 = arith.mulf %parallel_loop3A_221, %parallel_loop3A_222 : vector<16xf32>
        %parallel_loop3A_224 = arith.mulf %parallel_loop3A_223, %get3A_7 : vector<16xf32>
        %parallel_loop3A_225 = arith.addf %parallel_loop3A_224, %get3A_15 : vector<16xf32>
        %parallel_loop3A_226 = arith.index_cast %parallel_loop3A_124 : i32 to index
        %parallel_loop3A_227 = arith.constant 32 : index
        %parallel_loop3A_228 = tpu.vector_load %arg13[%parallel_loop3A_226, %parallel_loop3A_227] {strides = array<i32>} : memref<128x64xf32, #tpu.memory_space<vmem>>, vector<16xf32>,
        tpu.vector_store %arg13[%parallel_loop3A_226, %parallel_loop3A_227], %parallel_loop3A_225 {strides = array<i32>} : memref<128x64xf32, #tpu.memory_space<vmem>>, vector<16xf32>,
        %parallel_loop3A_229 = vector.broadcast %parallel_loop3A_177 : f32 to vector<16xf32>
        %parallel_loop3A_230 = arith.subf %parallel_loop3A_155, %parallel_loop3A_229 : vector<16xf32>
        %parallel_loop3A_231 = vector.broadcast %parallel_loop3A_201 : f32 to vector<16xf32>
        %parallel_loop3A_232 = arith.mulf %parallel_loop3A_230, %parallel_loop3A_231 : vector<16xf32>
        %parallel_loop3A_233 = arith.mulf %parallel_loop3A_232, %get3A_9 : vector<16xf32>
        %parallel_loop3A_234 = arith.addf %parallel_loop3A_233, %get3A_17 : vector<16xf32>
        %parallel_loop3A_235 = arith.index_cast %parallel_loop3A_124 : i32 to index
        %parallel_loop3A_236 = arith.constant 48 : index
        %parallel_loop3A_237 = tpu.vector_load %arg13[%parallel_loop3A_235, %parallel_loop3A_236] {strides = array<i32>} : memref<128x64xf32, #tpu.memory_space<vmem>>, vector<16xf32>,
        tpu.vector_store %arg13[%parallel_loop3A_235, %parallel_loop3A_236], %parallel_loop3A_234 {strides = array<i32>} : memref<128x64xf32, #tpu.memory_space<vmem>>, vector<16xf32>,
      } {sc.loop_unroll_factor = 4 : i64, sc.parallel_access}
      %mul3A_109 = arith.constant 128 : i32
      %mul3A_110 = arith.muli %add3A_86, %mul3A_109 : i32
      %add3A_111 = arith.addi %mul3A_2, %mul3A_110 : i32
      %dma_start3A_112 = arith.constant 0 : i32
      %dma_start3A_113 = tpu.memref_slice %arg7[%add3A_111, %dma_start3A_112] : memref<204800x64xf32, #tpu.memory_space<hbm>> -> memref<128x64xf32, #tpu.memory_space<hbm>>
      %dma_start3A_114 = arith.constant 0 : i32
      %dma_start3A_115 = tpu.memref_slice %arg7[%add3A_111, %dma_start3A_114] : memref<204800x64xf32, #tpu.memory_space<hbm>> -> memref<128x64xf32, #tpu.memory_space<hbm>>
      tpu.enqueue_dma source(%arg13 : memref<128x64xf32, #tpu.memory_space<vmem>>) target(%dma_start3A_115 : memref<128x64xf32, #tpu.memory_space<hbm>>) target_semaphore(%arg22 : memref<!tpu.dma_semaphore, #tpu.memory_space<semaphore_mem>>)
      %add3A_116 = arith.constant 1 : i32
      %add3A_117 = arith.addi %add3A_86, %add3A_116 : i32
      %lt3A_118 = arith.constant 50 : i32
      %lt3A_119 = arith.cmpi slt, %add3A_117, %lt3A_118 : i32
      %convert_element_type3A_120 = arith.extui %lt3A_119 : i1 to i32
      %cond3A_121 = arith.constant 0 : i32
      %cond3A_122 = arith.cmpi ne, %convert_element_type3A_120, %cond3A_121 : i32
      scf.if %cond3A_122 {
        %add3A_124 = arith.constant 1 : i32
        %add3A_125 = arith.addi %add3A_86, %add3A_124 : i32
        %mul3A_126 = arith.constant 128 : i32
        %mul3A_127 = arith.muli %add3A_125, %mul3A_126 : i32
        %add3A_128 = arith.addi %mul3A_2, %mul3A_127 : i32
        %dma_wait3A_129 = tpu.memref_slice %arg2[%add3A_128] : memref<204800xi32, #tpu.memory_space<hbm>> -> memref<128xi32, #tpu.memory_space<hbm>>
        %dma_wait3A_130 = tpu.memref_slice %arg2[%add3A_128] : memref<204800xi32, #tpu.memory_space<hbm>> -> memref<128xi32, #tpu.memory_space<hbm>>
        tpu.wait_dma2 semaphore(%arg17 : memref<!tpu.dma_semaphore, #tpu.memory_space<semaphore_mem>>) src(%dma_wait3A_130 : memref<128xi32, #tpu.memory_space<hbm>>) dst(%arg8 : memref<128xi32, #tpu.memory_space<vmem>>)
        %dma_start3A_131 = arith.constant 0 : i32
        %dma_start3A_132 = arith.constant 0 : i32
        %dma_start3A_133 = tpu.memref_slice %arg3[%dma_start3A_131, %dma_start3A_132] : memref<1000000x128xf32, #tpu.memory_space<hbm>> -> memref<1000000x128xf32, #tpu.memory_space<hbm>>
        tpu.enqueue_indirect_dma source(%dma_start3A_133 : memref<1000000x128xf32, #tpu.memory_space<hbm>>) target(%arg10 : memref<128x128xf32, #tpu.memory_space<vmem>>) offsets(%arg8 : memref<128xi32, #tpu.memory_space<vmem>>) semaphore(%arg19 : memref<!tpu.dma_semaphore, #tpu.memory_space<semaphore_mem>>)
      } else {
      }
      %scan3A_123 = arith.constant 0 : i32
      scf.yield %scan3A_123 : i32
    }
    %scan3A_36 = arith.constant 25 : i32
    %add3A_37 = arith.constant 6144 : i32
    %add3A_38 = arith.addi %mul3A_2, %add3A_37 : i32
    %dma_wait3A_39 = arith.constant 0 : i32
    %dma_wait3A_40 = tpu.memref_slice %arg7[%add3A_38, %dma_wait3A_39] : memref<204800x64xf32, #tpu.memory_space<hbm>> -> memref<128x64xf32, #tpu.memory_space<hbm>>
    %dma_wait3A_41 = arith.constant 0 : i32
    %dma_wait3A_42 = tpu.memref_slice %arg7[%add3A_38, %dma_wait3A_41] : memref<204800x64xf32, #tpu.memory_space<hbm>> -> memref<128x64xf32, #tpu.memory_space<hbm>>
    tpu.wait_dma2 semaphore(%arg21 : memref<!tpu.dma_semaphore, #tpu.memory_space<semaphore_mem>>) src(%arg12 : memref<128x64xf32, #tpu.memory_space<vmem>>) dst(%dma_wait3A_42 : memref<128x64xf32, #tpu.memory_space<hbm>>)
    %add3A_43 = arith.constant 6272 : i32
    %add3A_44 = arith.addi %mul3A_2, %add3A_43 : i32
    %dma_wait3A_45 = arith.constant 0 : i32
    %dma_wait3A_46 = tpu.memref_slice %arg7[%add3A_44, %dma_wait3A_45] : memref<204800x64xf32, #tpu.memory_space<hbm>> -> memref<128x64xf32, #tpu.memory_space<hbm>>
    %dma_wait3A_47 = arith.constant 0 : i32
    %dma_wait3A_48 = tpu.memref_slice %arg7[%add3A_44, %dma_wait3A_47] : memref<204800x64xf32, #tpu.memory_space<hbm>> -> memref<128x64xf32, #tpu.memory_space<hbm>>
    tpu.wait_dma2 semaphore(%arg22 : memref<!tpu.dma_semaphore, #tpu.memory_space<semaphore_mem>>) src(%arg13 : memref<128x64xf32, #tpu.memory_space<vmem>>) dst(%dma_wait3A_48 : memref<128x64xf32, #tpu.memory_space<hbm>>)
    return
  }
}

</mosaic_0001>

<sc_bundles>
// kernel: kernel.3.cloned.1.call-start
scs
__scs_entry_jumppad:
0x0: {  	(pc) =	sbr.rel $0x88, $3  }
0x1: {  	(tag) =	ssettag $0x0;
	lr =	simm.s32 $0x1  }
0x2: {  	[smem:$0x3F9C] =	sst lr;
	_ =	strace $0xD0000000  }
0x3: {  	_ = 	snop  }
0x4: {  	_ = 	snop  }
0x5: {  	_ = 	snop  }
0x6: {  	_ = 	snop  }
0x7: {  	_ = 	snop  }
__scs_overlays_trampoline_lowered:
0x8: {  	[smem:$0x3FAB] =	sst s0  }
0x9: {  	[smem:$0x3FAC] =	sst s1  }
0xa: {  	[smem:$0x3FAD] =	sst s2  }
0xb: {  	[smem:$0x3FAE] =	sst s3  }
0xc: {  	[smem:$0x3FAF] =	sst s4  }
0xd: {  	[smem:$0x3FB0] =	sst s5  }
0xe: {  	[smem:$0x3FB1] =	sst s6  }
0xf: {  	[smem:$0x3FB2] =	sst s7  }
0x10: {  	[smem:$0x3FB3] =	sst s8  }
0x11: {  	[smem:$0x3FB4] =	sst s9;
	s0 =	simm.s32 @!p0 $0x0  }
0x12: {  	s1 =	sld [smem:$0x3F9A];
	s0 =	simm.s32 @p0 $0x1  }
0x13: {  	[smem:$0x3FB5] =	sst s0;
	s0 =	simm.s32 @!p1 $0x0  }
0x14: {  	s2 =	sld [smem:$0x3F99];
	s0 =	simm.s32 @p1 $0x1  }
0x15: {  	[smem:$0x3FB6] =	sst s0;
	s0 =	simm.s32 @!p2 $0x0  }
0x16: {  	s3 =	sld [smem:$0x3FDB];
	s0 =	simm.s32 @p2 $0x1  }
0x17: {  	s4 =	simm.s32 $0x1BF5;
	[smem:$0x3FB8] =	sst s0  }
0x18: {  	s0 =	sld [smem:$0x3F9B];
	_ =	swait.ge [sflag:s4], $0x0  }
0x19: {  	s7 =	sld [smem:$0x3F9C]  }
0x1a: {  	s8 =	sadd.s32 $0xFFFFE003, lr  }
0x1b: {  	s9 =	sadd.s32 $0xFFFFFEF7, lr;
	s5 =	simm.s32 $0xFFFFFFFF;
	p2 =	slt.u32 s8, $0xFFFFF086  }
0x1c: {  	p1 =	slt.u32 s9, $0xF7A;
	s5 =	simm.s32 @!p2 $0x0  }
0x1d: {  	s5 =	simm.s32 @p1 $0x1;
	p0 =	seq.s32 s7, s2  }
0x1e: {  	s7 =	smul.u32 @!p0 $0xF7A, s2;
	p2 =	seq.s32 @!p0 s5, $0x0  }
0x1f: {  	s9 =	smul.u32 $0xF7A, s1;
	s8 =	simm.s32 @!p0 $0x1BF5;
	p2 =	por !p2, p0  }
0x20: {  	[sflag:s8] =	ssyncset.s32 @!p0 $0xFFFFF086;
	s6 =	sadd.s32 @!p0 s3, s7;
	s7 =	simm.s32 @!p0 $0x108  }
0x21: {  	s3 =	sadd.s32 s3, s9;
	s6 =	sadd.s32 @!p0 $0x88, s6;
	s7 =	simm.s32 @p2 $0x1082  }
0x22: {  	[simem:s7], [sflag:s8] =	dma.local @!p0 [hbm:s6], $0xF7A  }
0x23: {  	s9 =	sor.u32 $0xD0000000, s2;
	s6 =	simm.s32 $0x108;
	_ =	swait.ge @!p0 [sflag:s8], $0x0  }
0x24: {  	s3 =	sadd.s32 $0x88, s3;
	s6 =	simm.s32 @!p1 $0x1082;
	[sflag:s4] =	ssyncset.s32 $0xFFFFF086  }
0x25: {  	[simem:s6], [sflag:s4] =	dma.local [hbm:s3], $0xF7A  }
0x26: {  	[smem:$0x3F9C] =	sst s1;
	(tag) =	ssettag s2;
	_ =	strace s9  }
0x27: {  	s1 =	sld [smem:$0x3FAC]  }
0x28: {  	s2 =	sld [smem:$0x3FAD]  }
0x29: {  	s4 =	sld [smem:$0x3FAF]  }
0x2a: {  	p0 =	seq.s32 s5, $0x0;
	s5 =	sld [smem:$0x3FB0]  }
0x2b: {  	s6 =	sld [smem:$0x3FB1]  }
0x2c: {  	s7 =	sld [smem:$0x3FB2]  }
0x2d: {  	s3 =	simm.s32 $0x108;
	s8 =	sld [smem:$0x3FB3]  }
0x2e: {  	s3 =	simm.s32 @!p0 $0x1082;
	s9 =	sld [smem:$0x3FB4]  }
0x2f: {  	lr =	sadd.s32 s0, s3;
	s0 =	sld [smem:$0x3FAB]  }
0x30: {  	s3 =	sld [smem:$0x3FAE]  }
0x31: {  	[smem:$0x3FB7] =	sst s10  }
0x32: {  	s10 =	sld [smem:$0x3FB5];
	_ =	sdelay $0x3  }
0x33: {  	p0 =	seq.s32 s10, $0x1;
	s10 =	sld [smem:$0x3FB7];
	_ =	sdelay $0x3  }
0x34: {  	[smem:$0x3FB7] =	sst s10  }
0x35: {  	s10 =	sld [smem:$0x3FB6];
	_ =	sdelay $0x3  }
0x36: {  	p1 =	seq.s32 s10, $0x1;
	s10 =	sld [smem:$0x3FB7];
	_ =	sdelay $0x3  }
0x37: {  	[smem:$0x3FB7] =	sst s10  }
0x38: {  	s10 =	sld [smem:$0x3FB8]  }
0x39: {  	_ = 	snop;
	(pc) =	sbr.ind lr, $3  }
0x3a: {  	_ = 	snop  }
0x3b: {  	_ = 	snop  }
0x3c: {  	p2 =	seq.s32 s10, $0x1;
	s10 =	sld [smem:$0x3FB7]  }
0x3d: {  	_ =	shalt  }
0x3e: {  	_ =	shalt  }
0x3f: {  	_ =	shalt  }
0x40: {  	_ =	shalt  }
0x41: {  	_ =	shalt  }
0x42: {  	_ =	shalt  }
0x43: {  	_ =	shalt  }
0x44: {  	_ =	shalt  }
0x45: {  	_ =	shalt  }
0x46: {  	_ =	shalt  }
0x47: {  	_ =	shalt  }
0x48: {  	_ =	shalt  }
0x49: {  	_ =	shalt  }
0x4a: {  	_ =	shalt  }
0x4b: {  	_ =	shalt  }
0x4c: {  	_ =	shalt  }
0x4d: {  	_ =	shalt  }
0x4e: {  	_ =	shalt  }
0x4f: {  	_ =	shalt  }
0x50: {  	_ =	shalt  }
0x51: {  	_ =	shalt  }
0x52: {  	_ =	shalt  }
0x53: {  	_ =	shalt  }
0x54: {  	_ =	shalt  }
0x55: {  	_ =	shalt  }
0x56: {  	_ =	shalt  }
0x57: {  	_ =	shalt  }
0x58: {  	_ =	shalt  }
0x59: {  	_ =	shalt  }
0x5a: {  	_ =	shalt  }
0x5b: {  	_ =	shalt  }
0x5c: {  	_ =	shalt  }
0x5d: {  	_ =	shalt  }
0x5e: {  	_ =	shalt  }
0x5f: {  	_ =	shalt  }
0x60: {  	_ =	shalt  }
0x61: {  	_ =	shalt  }
0x62: {  	_ =	shalt  }
0x63: {  	_ =	shalt  }
0x64: {  	_ =	shalt  }
0x65: {  	_ =	shalt  }
0x66: {  	_ =	shalt  }
0x67: {  	_ =	shalt  }
0x68: {  	_ =	shalt  }
0x69: {  	_ =	shalt  }
0x6a: {  	_ =	shalt  }
0x6b: {  	_ =	shalt  }
0x6c: {  	_ =	shalt  }
0x6d: {  	_ =	shalt  }
0x6e: {  	_ =	shalt  }
0x6f: {  	_ =	shalt  }
0x70: {  	_ =	shalt  }
0x71: {  	_ =	shalt  }
0x72: {  	_ =	shalt  }
0x73: {  	_ =	shalt  }
0x74: {  	_ =	shalt  }
0x75: {  	_ =	shalt  }
0x76: {  	_ =	shalt  }
0x77: {  	_ =	shalt  }
0x78: {  	_ =	shalt  }
0x79: {  	_ =	shalt  }
0x7a: {  	_ =	shalt  }
0x7b: {  	_ =	shalt  }
0x7c: {  	_ =	shalt  }
0x7d: {  	_ =	shalt  }
0x7e: {  	_ =	shalt  }
0x7f: {  	_ =	shalt  }
0x80: {  	_ =	shalt  }
0x81: {  	_ =	shalt  }
0x82: {  	_ =	shalt  }
0x83: {  	_ =	shalt  }
0x84: {  	_ =	shalt  }
0x85: {  	_ =	shalt  }
0x86: {  	_ =	shalt  }
0x87: {  	_ =	shalt  }
.Lfunc_end0:
.L_simem_size_0:
called_computation.1_lowered:
.L_overlay_start_0:
0x88: {  	s2 =	sld [smem:$0x3FD9]  }
0x89: {  	s3 =	sld [smem:$0x3FFE];
	_ =	sdelay $0x1  }
0x8a: {  	s1 =	srdreg.scid  }
0x8b: {  	s0 =	sand.u32 $0x1, s1  }
0x8c: {  	s17 =	sshll.u32 s0, $0xA;
	s2 =	sadd.s32 s3, s2  }
0x8d: {  	s2 =	sadd.s32 s2, s17  }
0x8e: {  	[smem:$0x3FC3] =	sst s2  }
0x8f: {  	_ = 	snop  }
0x90: {  	s2 =	sld [smem:$0x3FC6]  }
0x91: {  	s18 =	sld [smem:$0x3FC5]  }
0x92: {  	s4 =	sld [smem:$0x3FD0];
	(tm) =	ssettm $0x1  }
0x93: {  	s5 =	sld [smem:$0x3FFB];
	_ =	sdelay $0x3  }
0x94: {  	_ =	strace s5  }
0x95: {  	s5 =	sld [smem:$0x3FFC];
	_ =	sdelay $0x3  }
0x96: {  	_ =	strace s5  }
0x97: {  	s5 =	sld [smem:$0x3FFD];
	_ =	sdelay $0x3  }
0x98: {  	_ =	strace s5  }
0x99: {  	_ =	strace $0x8FFFFFFF  }
0x9a: {  	s19 =	sld [smem:$0x3FDB];
	_ =	sdelay $0x1  }
0x9b: {  	s6 =	simm.s32 $_scs_section_size  }
0x9c: {  	s7 =	simm.s32 $_size__tile_overlayer_lowered;
	s8 =	simm.s32 $_tile_overlayer_lowered  }
0x9d: {  	s22 =	simm.s32 $0x1BFF;
	s21 =	sshll.u32 s8, $0x1;
	s5 =	sadd.s32 s6, s19  }
0x9e: {  	s9 =	simm.s32 $0x0;
	s20 =	sshll.u32 s7, $0x1;
	s7 =	sadd.s32 s21, s5  }
0x9f: {  	[timem:s9], [sflag:s22] =	dma.local [hbm:s7], s20  }
0xa0: {  	_ =	swait.ge [sflag:s22], s20  }
0xa1: {  	s6 =	ssub.s32 $0x0, s20;
	[sflag:s22] =	ssyncset.done $0x0  }
0xa2: {  	[sflag:s22] =	ssyncadd.s32 s6;
	_ =	sdelay $0x1  }
0xa3: {  	s23 =	simm.s32 $0x1B8B  }
0xa4: {  	_ =	swait.ge [sflag:s23], $0x1  }
0xa5: {  	[sflag:s23] =	ssyncset.done $0x0  }
0xa6: {  	s25 =	simm.s32 $0x1B8E;
	s24 =	sld [smem:$0x3FFE];
	[sflag:s23] =	ssyncadd.s32 $0xFFFFFFFF  }
0xa7: {  	s26 =	simm.s32 $execute0_lowered;
	[smem:$0x3FD2] =	sst s25  }
0xa8: {  	s7 =	sshll.u32 s26, $0x1;
	_ =	strace $0x80000046;
	[dreg:$0x1] =	wrdreg $0xFFFFFFFF  }
0xa9: {  	s28 =	simm.s32 $_size_execute0_lowered;
	s5 =	sadd.s32 s5, s7;
	[dreg:$0x0] =	wrdreg $0x0  }
0xaa: {  	s7 =	sshll.u32 s28, $0x1;
	[dreg:$0x2] =	wrdreg s5  }
0xab: {  	[dreg:$0x3] =	wrdreg s7  }
0xac: {  	[dreg:$0x4] =	wrdreg $0xC0  }
0xad: {  	_ =	task [dreg:s9], $0x5FFFF  }
0xae: {  	[dreg:$0x1] =	wrdreg $0xFFFFFFFF  }
0xaf: {  	[dreg:$0x0] =	wrdreg $0x60  }
0xb0: {  	[dreg:$0x2] =	wrdreg s4  }
0xb1: {  	[dreg:$0x3] =	wrdreg s24  }
0xb2: {  	[dreg:$0x4] =	wrdreg s2  }
0xb3: {  	[dreg:$0x5] =	wrdreg s18  }
0xb4: {  	[dreg:$0x6] =	wrdreg $0x9  }
0xb5: {  	_ =	task.clear_ibuf [dreg:s9], $0x7FFFF;
	_ =	strace $0x90000046  }
0xb6: {  	s29 =	simm.s32 $0x9;
	_ =	strace $0x80000048  }
0xb7: {  	_ =	swait.ge [sflag:s29], $0x1  }
0xb8: {  	[sflag:s29] =	ssyncadd.s32 $0xFFFFFFFF  }
0xb9: {  	_ =	strace $0x90000048  }
0xba: {  	_ =	sfence  }
0xbb: {  	s30 =	sld [smem:$0x0];
	_ =	sdelay $0x2  }
0xbc: {  	s31 =	sshll.u32 s1, $0xD;
	s1 =	sshrl.u32 s1, $0x2  }
0xbd: {  	s3 =	sand.u32 $0x4000, s31;
	s1 =	sadd.s32 s1, s30  }
0xbe: {  	s0 =	sor.u32 s3, s0;
	s1 =	sshll.u32 s1, $0x11  }
0xbf: {  	s0 =	sor.u32 s1, s0  }
0xc0: {  	s0 =	sadd.s32 $0x8F2B, s0  }
0xc1: {  	[sflag:s0] =	ssyncadd.remote.s32 $0x1  }
0xc2: {  	_ =	sfence.sel $0xFFFF  }
0xc3: {  	[dreg:$0x0] =	wrdreg $0xFFFFFFFF;
	(pc) =	sbr.abs _section_cstart, $3  }
0xc4: {  	[dreg:$0x1] =	wrdreg $0xFFFFFFFF  }
0xc5: {  	_ =	task.clear_ibuf [dreg:s9], $0x2FFFF;
	_ =	strace $0x9FFFFFFF  }
0xc6: {  	(tm) =	ssettm $0x7FFFFFFF  }
0xc7: {  	_ =	shalt  }
tec
execute0_lowered:
.L_overlay_start_1:
0x0: {  	(tag) =	ssettag $0x1  }
0x1: {  	s5 =	rddreg [dreg:$0x0];
	s2 =	srdreg.scid  }
0x2: {  	s0 =	rddreg [dreg:$0x1];
	s1 =	stileid.u32;
	s2 =	sand.u32 $0x1, s2  }
0x3: {  	s3 =	sshll.u32 s1, $0x1;
	s1 =	simm.s32 $0x0;
	s24 =	sadd.s32 $0xF45000, s0  }
0x4: {  	s25 =	sadd.s32 $0xF43000, s0;
	s9 =	sadd.s32 $0xC00, s0;
	s3 =	sor.u32 s2, s3  }
0x5: {  	[smem:$0x7FF] =	sst s1;
	s2 =	ssub.s32 $0x2, s2;
	s6 =	smul.u32 $0x1900, s3  }
0x6: {  	_ =	strace $0x80000047;
	[dreg:$0x7] =	wrdreg s24;
	s28 =	sshrl.u32 s2, $0x1  }
0x7: {  	[dreg:$0x8] =	wrdreg s25;
	s0 =	ssub.s32 s2, s28;
	s30 =	sadd.s32 $0x100, s6  }
.Ltmp0:
0x8: {  	s31 =	sadd.s32 $0x180, s6;
	[dreg:$0xb] =	wrdreg s30;
	(pc) =	sbr.rel .LBB2_1-.Ltmp0, $4  }
0x9: {  	s26 =	sshrl.u32 s6, $0x3;
	s0 =	smax.u32 s0, $0x1;
	[dreg:$0xc] =	wrdreg s31  }
0xa: {  	s3 =	sadd.s32 s5, s26;
	[dreg:$0xd] =	wrdreg s0  }
0xb: {  	[dreg:$0x9] =	wrdreg s3;
	s29 =	sadd.s32 $0x10, s3  }
0xc: {  	s3 =	simm.s32 $0x0;
	[dreg:$0xa] =	wrdreg s29  }
.LBB2_11:
0xd: {  	s0 =	simm.s32 $0x5  }
0xe: {  	_ =	swait.ge [sflag:s0], $0x4000  }
0xf: {  	[sflag:s0] =	ssyncset.done $0x0  }
0x10: {  	s2 =	simm.s32 $0x6;
	[sflag:s0] =	ssyncadd.s32 $0xFFFFC000  }
0x11: {  	_ =	swait.ge [sflag:s2], $0x4000  }
0x12: {  	s3 =	rddreg [dreg:$0xe]  }
0x13: {  	s31 =	rddreg [dreg:$0xd];
	s3 =	sadd.s32 $0x1, s3  }
0x14: {  	p0 =	sne.s32 s3, s31  }
.Ltmp1:
0x15: {  	_ = 	snop;
	(pc) =	sbr.rel @!p0 .LBB2_12-.Ltmp1, $3  }
0x16: {  	_ =	sdelay $0x1  }
0x17: {  	[sflag:s2] =	ssyncset.done $0x0  }
0x18: {  	s5 =	smov.u32 s7;
	[sflag:s2] =	ssyncadd.s32 $0xFFFFC000  }
.LBB2_1:
0x19: {  	[dreg:$0xe] =	wrdreg s3  }
0x1a: {  	s0 =	rddreg [dreg:$0x8];
	s2 =	simm.s32 $0x10100;
	s20 =	simm.s32 $0x7  }
0x1b: {  	[tilespmem:s2], [sflag:$0x7] =	stream.linear.gather [hbm4b:s0+s1], $0x6400, $0x38;
	[tilespmem:$0x16600] =	vst v63  }
0x1c: {  	_ =	swait.ge [sflag:s20], $0x6400  }
0x1d: {  	[sflag:s20] =	ssyncset.done $0x0  }
0x1e: {  	[sflag:s20] =	ssyncadd.s32 $0xFFFF9C00  }
0x1f: {  	s22 =	simm.s32 $0x16500;
	s21 =	rddreg [dreg:$0x2]  }
0x20: {  	[tilespmem:s22], [sflag:$0x7] =	stream.linear.gather [hbm4b:s21+s1], $0x80, $0x38;
	[tilespmem:$0x16600] =	vst v63  }
0x21: {  	_ =	swait.ge [sflag:s20], $0x80  }
0x22: {  	[sflag:s20] =	ssyncset.done $0x0  }
0x23: {  	[sflag:s20] =	ssyncadd.s32 $0xFFFFFF80  }
0x24: {  	s24 =	simm.s32 $0x16580;
	s23 =	rddreg [dreg:$0x3]  }
0x25: {  	[tilespmem:s24], [sflag:$0x7] =	stream.linear.gather [hbm4b:s23+s1], $0x80, $0x38;
	[tilespmem:$0x16600] =	vst v63  }
0x26: {  	_ =	swait.ge [sflag:s20], $0x80  }
0x27: {  	[sflag:s20] =	ssyncset.done $0x0  }
0x28: {  	[sflag:s20] =	ssyncadd.s32 $0xFFFFFF80  }
0x29: {  	v5 =	vld [tilespmem:$0x16500]  }
0x2a: {  	v1 =	vld [tilespmem:$0x16510]  }
0x2b: {  	v0 =	vld [tilespmem:$0x16520]  }
0x2c: {  	v3 =	vld [tilespmem:$0x165A0]  }
0x2d: {  	v4 =	vld [tilespmem:$0x16580]  }
0x2e: {  	v2 =	vld [tilespmem:$0x16590]  }
0x2f: {  	s25 =	rddreg [dreg:$0x9];
	v6 =	vld [tilespmem:$0x165B0]  }
0x30: {  	[tilespmem:$0x1FFA0] =	vst v0;
	v0 =	vld [tilespmem:$0x16530];
	[tilespmem:s1], [sflag:$0x1] =	stream.linear.gather [hbm4b:s25+s1], $0x80, $0x38  }
0x31: {  	s28 =	simm.s32 $0x80;
	s29 =	simm.s32 $0x1;
	s26 =	rddreg [dreg:$0xa];
	[tilespmem:$0x1FFB0] =	vst v3  }
0x32: {  	[tilespmem:s28], [sflag:$0x2] =	stream.linear.gather [hbm4b:s26+s1], $0x80, $0x38;
	[tilespmem:$0x16600] =	vst v63  }
0x33: {  	_ =	swait.ge [sflag:s29], $0x80  }
0x34: {  	[tilespmem:$0x1FFC0] =	vst v5  }
0x35: {  	s31 =	simm.s32 $0x100;
	[tilespmem:$0x1FFD0] =	vst v1  }
0x36: {  	s3 =	simm.s32 $0x0;
	s2 =	simm.s32 $0x80;
	[sflag:s29] =	ssyncset.done $0x0;
	[tilespmem:$0x1FFE0] =	vst v2  }
0x37: {  	s0 =	simm.s32 $0x0;
	s30 =	rddreg [dreg:$0x7];
	[tilespmem:$0x1FFF0] =	vst v4;
	[sflag:s29] =	ssyncadd.s32 $0xFFFFFF80  }
0x38: {  	[tilespmem:s31], [sflag:$0x3] =	stream.indirect.gather [hbm4b:s30+s28], $0x80, s1, s28, $0xb8;
	[tilespmem:$0x16600] =	vst v63  }
.LBB2_2:
0x39: {  	p0 =	seq.s32 s3, $0x18  }
0x3a: {  	s7 =	simm.s32 $0x3;
	p1 =	seq.s32 @!p0 s3, $0x0  }
0x3b: {  	_ =	swait.ge [sflag:s7], $0x4000;
	p1 =	por p0, !p1  }
.Ltmp2:
0x3c: {  	s4 =	sshll.u32 s3, $0x8;
	s1 =	rddreg [dreg:$0xb];
	(pc) =	sbr.rel @!p1 .LBB2_3-.Ltmp2, $4  }
0x3d: {  	s8 =	sadd.s32 @!p0 s4, s1  }
0x3e: {  	s10 =	simm.s32 @!p0 $0x0;
	[sflag:s7] =	ssyncset.done $0x0;
	s8 =	sshrl.u32 @!p0 s8, $0x3  }
0x3f: {  	[sflag:s7] =	ssyncadd.s32 $0xFFFFC000;
	s7 =	simm.s32 $0x0;
	s8 =	sadd.s32 @!p0 s5, s8  }
0x40: {  	[tilespmem:s10], [sflag:$0x1] =	stream.linear.gather @!p0 [hbm4b:s8+s10], $0x80, $0x38;
	[tilespmem:$0x16600] =	vst v63  }
.Ltmp3:
0x41: {  	(pc) =	sbr.rel .LBB2_5-.Ltmp3, $4  }
0x42: {  	s1 =	simm.s32 $0x5  }
0x43: {  	_ =	swait.ge [sflag:s1], $0x4000  }
0x44: {  	[sflag:s1] =	ssyncset.done $0x0  }
0x45: {  	p1 =	por $0x0, $0x0;
	[sflag:s1] =	ssyncadd.s32 $0xFFFFC000  }
.LBB2_3:
0x46: {  	p1 =	por @!p0 $0x1, $0x1  }
.LBB2_5:
0x47: {  	s8 =	smulhi.u32 $0x51EB851F, s0;
	_ =	sdelay $0x1  }
0x48: {  	s10 =	smulhi.u32 $0x51EB851F, s2;
	s8 =	sshrl.u32 s8, $0x6  }
0x49: {  	s8 =	smul.u32 $0xC8, s8;
	_ =	sdelay $0x1  }
0x4a: {  	s10 =	sshrl.u32 s10, $0x6;
	s8 =	ssub.s32 s0, s8  }
0x4b: {  	[dreg:$0x5] =	wrdreg s8;
	s8 =	smul.u32 $0xC8, s10  }
0x4c: {  	_ = 	snop  }
0x4d: {  	s11 =	rddreg [dreg:$0x5];
	s8 =	ssub.s32 s0, s8  }
0x4e: {  	s12 =	simm.s32 $0x200;
	[dreg:$0x6] =	wrdreg s8  }
0x4f: {  	s10 =	sadd.s32 $0xFFFFFFFC, s11;
	v8 =	vld [tilespmem:s12+$0x80]  }
0x50: {  	s11 =	sadd.s32 $0x7, s10;
	v9 =	vld [tilespmem:s12+$0x90]  }
0x51: {  	s14 =	sshll.u32 s11, $0x9;
	v11 =	vld [tilespmem:s12+$0xA0]  }
0x52: {  	p2 =	slt.u32 s11, $0xC8;
	v12 =	vld [tilespmem:s12+$0xB0];
	s11 =	sadd.s32 $0xFFFE7000, s14  }
0x53: {  	v16 =	vld [tilespmem:s12+$0xFFFFFF00];
	s11 =	smov.u32 @p2 s14  }
0x54: {  	v17 =	vld [tilespmem:s12+$0xFFFFFF10];
	s11 =	sshra.s32 s11, $0x2  }
0x55: {  	v10 =	vld [tilespmem:s11+$0x10100]  }
0x56: {  	v13 =	vld [tilespmem:s11+$0x10110]  }
0x57: {  	s13 =	sadd.s32 $0x4, s10;
	v14 =	vld [tilespmem:s11+$0x10120]  }
0x58: {  	s15 =	sshll.u32 s13, $0x9;
	v15 =	vld [tilespmem:s11+$0x10130]  }
0x59: {  	s17 =	sadd.s32 $0x5, s10;
	v30 =	vld [tilespmem:s12+$0xFFFFFF80];
	s16 =	sadd.s32 $0xFFFE7000, s15;
	p2 =	slt.u32 s13, $0xC8  }
0x5a: {  	v31 =	vld [tilespmem:s12+$0xFFFFFF90];
	s16 =	smov.u32 @p2 s15;
	s15 =	sshll.u32 s17, $0x9  }
0x5b: {  	v33 =	vld [tilespmem:s12+$0x0];
	p2 =	slt.u32 s17, $0xC8;
	s18 =	sshra.s32 s16, $0x2;
	s16 =	sadd.s32 $0xFFFE7000, s15  }
0x5c: {  	s10 =	sadd.s32 $0x6, s10;
	v18 =	vld [tilespmem:s18+$0x10100];
	s16 =	smov.u32 @p2 s15;
	v10 =	vadd.f32 v10, v8;
	v9 =	vadd.f32 v13, v9  }
0x5d: {  	s14 =	sshll.u32 s10, $0x9;
	v19 =	vld [tilespmem:s18+$0x10110];
	s19 =	sshra.s32 s16, $0x2;
	v8 =	vadd.f32 v14, v11;
	v11 =	vadd.f32 v15, v12  }
0x5e: {  	s15 =	sadd.s32 $0xFFFE7000, s14;
	p2 =	slt.u32 s10, $0xC8;
	v21 =	vld [tilespmem:s19+$0x10110];
	v15 =	vmul.f32 v10, v10;
	v20 =	vmul.f32 v9, v9  }
0x5f: {  	s15 =	smov.u32 @p2 s14;
	v26 =	vld [tilespmem:s19+$0x10120];
	v22 =	vmul.f32 v8, v8;
	v23 =	vmul.f32 v11, v11  }
0x60: {  	s20 =	sshra.s32 s15, $0x2;
	v27 =	vld [tilespmem:s19+$0x10130];
	v24 =	vadd.f32 v9, v10;
	v25 =	vadd.f32 v11, v8  }
0x61: {  	v28 =	vld [tilespmem:s20+$0x10110];
	v15 =	vadd.f32 v20, v15;
	v20 =	vadd.f32 v23, v22  }
0x62: {  	v29 =	vld [tilespmem:s20+$0x10130];
	v22 =	vadd.f32 v25, v24  }
0x63: {  	v13 =	vld [tilespmem:s18+$0x10120];
	v15 =	vadd.f32 v20, v15  }
0x64: {  	v12 =	vld [tilespmem:s18+$0x10130];
	(xrf2) =	vadd.scan.msk.f32 $0xffff, v22  }
0x65: {  	v14 =	vld [tilespmem:s19+$0x10100];
	(xrf2) =	vadd.scan.msk.f32 $0xffff, v15  }
0x66: {  	v36 =	vadd.f32 v18, v16;
	v16 =	vld [tilespmem:s12+$0xFFFFFFA0]  }
0x67: {  	v22 =	vld [tilespmem:s12+$0xFFFFFF30]  }
0x68: {  	v15 =	vld [tilespmem:s12+$0xFFFFFF20]  }
0x69: {  	v24 =	vadd.f32 v19, v17;
	v19 =	vld [tilespmem:s12+$0xFFFFFFB0]  }
0x6a: {  	v25 =	vld [tilespmem:s20+$0x10100]  }
0x6b: {  	v18 =	vadd.f32 v21, v31;
	v17 =	vadd.f32 v14, v30;
	v14 =	vld [tilespmem:s12+$0x20];
	v30 =	vmul.f32 v36, v36  }
0x6c: {  	v32 =	vadd.f32 v24, v36;
	v31 =	vmul.f32 v24, v24;
	v22 =	vadd.f32 v12, v22;
	v12 =	vld [tilespmem:s12+$0x10]  }
0x6d: {  	v20 =	vld [tilespmem:s20+$0x10120];
	v16 =	vadd.f32 v26, v16;
	v23 =	vadd.f32 v13, v15  }
0x6e: {  	v26 =	vld [tilespmem:s12+$0x30];
	v30 =	vadd.f32 v31, v30;
	v21 =	vadd.f32 v27, v19;
	v13, _, _ =	vpop (xrf2)  }
0x6f: {  	v19 =	vadd.f32 v22, v23;
	(v2sf) =	vpush v13, $0xF;
	v13, _, _ =	vpop (xrf2)  }
0x70: {  	v27 =	vadd.f32 v18, v17;
	(v2sf) =	vpush v13, $0xF  }
0x71: {  	s21 =	rddreg [dreg:$0x5];
	v15 =	vadd.f32 v28, v12;
	v19 =	vadd.f32 v19, v32  }
0x72: {  	s22 =	sadd.s32 $0x0, s21;
	v31 =	vmul.f32 v16, v16;
	v13 =	vadd.f32 v25, v33;
	v25 =	vadd.f32 v21, v16  }
0x73: {  	s23 =	sadd.s32 $0x7, s22;
	v46 =	vmul.f32 v21, v21;
	v12 =	vadd.f32 v20, v14;
	v14 =	vadd.f32 v29, v26;
	(xrf2) =	vadd.scan.msk.f32 $0xffff, v19  }
0x74: {  	s8 =	simm.s32 $0x400;
	s25 =	sadd.s32 $0x4, s22;
	s14 =	sshll.u32 s23, $0x9;
	v28 =	vmul.f32 v23, v23;
	v20 =	vmul.f32 v22, v22;
	v25 =	vadd.f32 v25, v27  }
0x75: {  	v44 =	vld [tilespmem:s8+$0xFFFFFF30];
	s17 =	sshll.u32 s25, $0x9;
	p2 =	slt.u32 s23, $0xC8;
	s10 =	sadd.s32 $0xFFFE7000, s14;
	v26 =	vmul.f32 v17, v17;
	v29 =	vadd.f32 v14, v12;
	v19 =	vmul.f32 v18, v18  }
0x76: {  	v60 =	vld [tilespmem:s8+$0xFFFFFFB0];
	s16 =	sadd.s32 $0xFFFE7000, s17;
	s10 =	smov.u32 @p2 s14;
	p2 =	slt.u32 s25, $0xC8;
	v20 =	vadd.f32 v20, v28;
	v47 =	vmul.f32 v12, v12;
	v27 =	vadd.f32 v15, v13;
	(xrf2) =	vadd.scan.msk.f32 $0xffff, v25  }
0x77: {  	v61 =	vld [tilespmem:s8+$0x10];
	s14 =	sshra.s32 s10, $0x2;
	s16 =	smov.u32 @p2 s17;
	v48 =	vmul.f32 v14, v14;
	v19 =	vadd.f32 v19, v26;
	v26 =	vadd.f32 v46, v31  }
0x78: {  	v49 =	vld [tilespmem:s14+$0x10130];
	s16 =	sshra.s32 s16, $0x2;
	v25 =	vmul.f32 v13, v13;
	v27 =	vadd.f32 v29, v27;
	v29 =	vmul.f32 v15, v15  }
0x79: {  	v50 =	vld [tilespmem:s16+$0x10100];
	v20 =	vadd.f32 v20, v30;
	v19 =	vadd.f32 v26, v19  }
0x7a: {  	v34 =	vld [tilespmem:s16+$0x10110];
	v26 =	vadd.f32 v48, v47;
	(xrf2) =	vadd.scan.msk.f32 $0xffff, v27;
	v25 =	vadd.f32 v29, v25  }
0x7b: {  	v28 =	vld [tilespmem:s8+$0x80];
	(xrf2) =	vadd.scan.msk.f32 $0xffff, v20  }
0x7c: {  	v30 =	vld [tilespmem:s8+$0xB0];
	(xrf2) =	vadd.scan.msk.f32 $0xffff, v19;
	v25 =	vadd.f32 v26, v25  }
0x7d: {  	v31 =	vld [tilespmem:s8+$0x90];
	v29, _, _ =	vpop (xrf2)  }
0x7e: {  	s1 =	sadd.s32 $0x5, s22;
	v20 =	vld [tilespmem:s14+$0x10100];
	(xrf2) =	vadd.scan.msk.f32 $0xffff, v25;
	s24 =	spop (v2sf);
	(v2sf) =	vpush v29, $0xF  }
0x7f: {  	s15 =	sshll.u32 s1, $0x9;
	v19 =	vld [tilespmem:s14+$0x10110];
	s10 =	smul.f32 $1.562500000e-02, s24;
	s26 =	spop (v2sf)  }
0x80: {  	s18 =	sadd.s32 $0xFFFE7000, s15;
	p2 =	slt.u32 s1, $0xC8;
	v27 =	vld [tilespmem:s8+$0xA0];
	v25, _, _ =	vpop (xrf2);
	s29 =	smul.f32 $1.562500000e-02, s26  }
0x81: {  	s18 =	smov.u32 @p2 s15;
	v26 =	vld [tilespmem:s14+$0x10120];
	(v2sf) =	vpush v25, $0xF;
	s30 =	smul.f32 s10, s10  }
0x82: {  	s15 =	sshra.s32 s18, $0x2;
	v52 =	vld [tilespmem:s16+$0x10130]  }
0x83: {  	v39 =	vld [tilespmem:s15+$0x10100];
	s14 =	ssub.f32 s29, s30  }
0x84: {  	v42 =	vld [tilespmem:s15+$0x10110];
	v53 =	vadd.f32 v20, v28;
	v3 =	vadd.f32 v19, v31;
	v31, _, _ =	vpop (xrf2)  }
0x85: {  	v56 =	vld [tilespmem:s15+$0x10130];
	v20 =	vadd.f32 v49, v30;
	(v2sf) =	vpush v31, $0xF;
	v31, _, _ =	vpop (xrf2);
	s14 =	sadd.f32 $9.999999740e-06, s14  }
0x86: {  	v46 =	vld [tilespmem:s8+$0xFFFFFF90];
	v7 =	vadd.f32 v26, v27;
	(v2sf) =	vpush v31, $0xF;
	v31, _, _ =	vpop (xrf2)  }
0x87: {  	v47 =	vld [tilespmem:s8+$0xFFFFFFA0];
	v37 =	vmul.f32 v53, v53;
	(v2sf) =	vpush v31, $0xF;
	s12 =	sshrl.u32 s14, $0x1;
	s14 =	smul.f32 $5.000000000e-01, s14  }
0x88: {  	s11 =	sadd.s32 $0x6, s22;
	v48 =	vld [tilespmem:s8+$0x0];
	v41 =	vmul.f32 v20, v20;
	v30 =	vadd.f32 v3, v53;
	v35 =	vadd.f32 v20, v7;
	v55, _, _ =	vpop (xrf2);
	s17 =	ssub.s32 $0x5F3759DF, s12  }
0x89: {  	v27 =	vld [tilespmem:s16+$0x10120];
	s16 =	sshll.u32 s11, $0x9;
	v38 =	vmul.f32 v3, v3;
	v40 =	vmul.f32 v7, v7;
	(v2sf) =	vpush v55, $0xF;
	s13 =	smul.f32 s17, s14  }
0x8a: {  	p2 =	slt.u32 s11, $0xC8;
	v29 =	vld [tilespmem:s8+$0xFFFFFF00];
	s18 =	sadd.s32 $0xFFFE7000, s16;
	v30 =	vadd.f32 v35, v30  }
0x8b: {  	v25 =	vld [tilespmem:s8+$0xFFFFFF10];
	s18 =	smov.u32 @p2 s16;
	v54 =	vadd.f32 v41, v40;
	v31 =	vadd.f32 v38, v37;
	s11 =	smul.f32 s17, s13  }
0x8c: {  	s16 =	sshra.s32 s18, $0x2;
	v35 =	vld [tilespmem:s15+$0x10120]  }
0x8d: {  	v57 =	vld [tilespmem:s16+$0x10100];
	(xrf2) =	vadd.scan.msk.f32 $0xffff, v30;
	v30 =	vadd.f32 v54, v31;
	s11 =	ssub.f32 $1.500000000e+00, s11;
	s18 =	spop (v2sf)  }
0x8e: {  	v58 =	vld [tilespmem:s16+$0x10110];
	s15 =	smul.f32 $1.562500000e-02, s18  }
0x8f: {  	(xrf2) =	vadd.scan.msk.f32 $0xffff, v30;
	v30 =	vld [tilespmem:s8+$0xFFFFFF20];
	s17 =	smul.f32 s17, s11  }
0x90: {  	v59 =	vld [tilespmem:s16+$0x10120];
	s20 =	spop (v2sf);
	s19 =	smul.f32 s15, s15  }
0x91: {  	v43 =	vld [tilespmem:s16+$0x10130];
	s16 =	smul.f32 $1.562500000e-02, s20  }
0x92: {  	v62 =	vld [tilespmem:s8+$0x20];
	v19 =	vadd.f32 v56, v60;
	v29 =	vadd.f32 v50, v29;
	s11 =	smul.f32 s17, s14  }
0x93: {  	v31 =	vadd.f32 v34, v25;
	v34 =	vadd.f32 v42, v46;
	s20 =	smul.f32 s16, s16  }
0x94: {  	v25 =	vadd.f32 v27, v30;
	v27 =	vadd.f32 v52, v44;
	s23 =	spop (v2sf);
	s21 =	smul.f32 s11, s17  }
0x95: {  	v45 =	vld [tilespmem:s8+$0xFFFFFF80];
	v32 =	vadd.f32 v35, v47;
	v35 =	vadd.f32 v57, v48;
	s22 =	spop (v2sf);
	s11 =	smul.f32 $1.562500000e-02, s23  }
0x96: {  	v56 =	vmul.f32 v29, v29;
	v49 =	vadd.f32 v31, v29;
	v52 =	vadd.f32 v27, v25;
	s22 =	smul.f32 $1.562500000e-02, s22;
	s25 =	spop (v2sf)  }
0x97: {  	v50 =	vld [tilespmem:s8+$0x30];
	v37 =	vadd.f32 v58, v61;
	v38 =	vadd.f32 v59, v62;
	v57 =	vmul.f32 v31, v31;
	s25 =	smul.f32 $1.562500000e-02, s25;
	s18 =	ssub.f32 $1.500000000e+00, s21  }
0x98: {  	v55 =	vadd.f32 v19, v32;
	v54 =	vadd.f32 v52, v49;
	s28 =	smul.f32 s11, s11;
	s26 =	spop (v2sf)  }
0x99: {  	v51 =	vmul.f32 v19, v19;
	v59 =	vadd.f32 v37, v35;
	v41 =	vadd.f32 v57, v56;
	v30, _, _ =	vpop (xrf2);
	s24 =	ssub.f32 s22, s19;
	s29 =	smul.f32 $1.562500000e-02, s26  }
0x9a: {  	v33 =	vmul.f32 v32, v32;
	(v2sf) =	vpush v30, $0xF;
	v30 =	vadd.f32 v39, v45;
	v63, _, _ =	vpop (xrf2);
	(xrf2) =	vadd.scan.msk.f32 $0xffff, v54;
	s25 =	ssub.f32 s25, s20  }
0x9b: {  	v56 =	vmul.f32 v35, v35;
	v57 =	vmul.f32 v37, v37;
	(v2sf) =	vpush v63, $0xF;
	s1 =	ssub.f32 s29, s28  }
0x9c: {  	v52 =	vmov s10;
	v39 =	vadd.f32 v43, v50;
	v42 =	vadd.f32 v34, v30;
	s22 =	sadd.f32 $9.999999740e-06, s24  }
0x9d: {  	v58 =	vmul.f32 v25, v25;
	v60 =	vmul.f32 v27, v27;
	v11 =	vsub.f32 v11, v52;
	s8 =	smul.f32 s18, s17;
	s19 =	sadd.f32 $9.999999740e-06, s1  }
0x9e: {  	v45 =	vmov s15;
	v61 =	vadd.f32 v39, v38;
	v42 =	vadd.f32 v55, v42;
	s14 =	sadd.f32 $9.999999740e-06, s25;
	s20 =	smul.f32 $5.000000000e-01, s22  }
0x9f: {  	v26 =	vsub.f32 v36, v45;
	v63 =	vmul.f32 v34, v34;
	v54 =	vadd.f32 v60, v58;
	s29 =	sshrl.u32 s19, $0x1;
	s18 =	smul.f32 $5.000000000e-01, s19  }
0xa0: {  	v58 =	vmul.f32 v38, v38;
	v24 =	vsub.f32 v24, v45;
	v46 =	vadd.f32 v61, v59;
	(xrf2) =	vadd.scan.msk.f32 $0xffff, v42;
	s30 =	sshrl.u32 s22, $0x1;
	s17 =	smul.f32 $5.000000000e-01, s14;
	s29 =	ssub.s32 $0x5F3759DF, s29  }
0xa1: {  	v23 =	vsub.f32 v23, v45;
	v22 =	vsub.f32 v22, v45;
	[tilespmem:$0x1FF60] =	vst v26;
	v59 =	vmul.f32 v39, v39;
	s28 =	ssub.s32 $0x5F3759DF, s30;
	s30 =	rddreg [dreg:$0x5];
	s15 =	smul.f32 s29, s18  }
0xa2: {  	v62 =	vmul.f32 v30, v30;
	v41 =	vadd.f32 v54, v41;
	[tilespmem:$0x1FF70] =	vst v24;
	(xrf2) =	vadd.scan.msk.f32 $0xffff, v46;
	s13 =	smul.f32 s28, s20;
	s22 =	sadd.s32 $0x4, s30  }
0xa3: {  	v24 =	vadd.f32 v57, v56;
	[tilespmem:$0x1FF80] =	vst v23;
	v42 =	vadd.f32 v59, v58;
	s30 =	sadd.s32 $0x7, s22;
	s1 =	smul.f32 s29, s15;
	s15 =	simm.s32 $0x600  }
0xa4: {  	v36 =	vadd.f32 v63, v62;
	v55 =	vadd.f32 v51, v33;
	s12 =	sshrl.u32 s14, $0x1;
	s14 =	smul.f32 s28, s13;
	v60, _, _ =	vpop (xrf2);
	s13 =	sshll.u32 s30, $0x9;
	v23 =	vld [tilespmem:s15+$0x80];
	[tilespmem:$0x1FF90] =	vst v22  }
0xa5: {  	v61 =	vmov s16;
	(xrf2) =	vadd.scan.msk.f32 $0xffff, v41;
	s25 =	ssub.s32 $0x5F3759DF, s12;
	p2 =	slt.u32 s30, $0xC8;
	(v2sf) =	vpush v60, $0xF;
	s30 =	sadd.s32 $0xFFFE7000, s13;
	v22 =	vadd.f32 v42, v24;
	v24 =	vld [tilespmem:s15+$0x90]  }
0xa6: {  	v48 =	vsub.f32 v17, v61;
	v36 =	vadd.f32 v55, v36;
	s21 =	smul.f32 s25, s17;
	s30 =	smov.u32 @p2 s13;
	v17 =	vld [tilespmem:s15+$0xA0]  }
0xa7: {  	v9 =	vsub.f32 v9, v52;
	v46 =	vsub.f32 v18, v61;
	s12 =	ssub.f32 $1.500000000e+00, s14;
	s13 =	sshra.s32 s30, $0x2;
	v18 =	vld [tilespmem:s15+$0xB0]  }
0xa8: {  	v10 =	vsub.f32 v10, v52;
	(xrf2) =	vadd.scan.msk.f32 $0xffff, v36;
	s31 =	smul.f32 s25, s21;
	v62 =	vld [tilespmem:s13+$0x10110]  }
0xa9: {  	v49 =	vsub.f32 v16, v61;
	v11 =	vmul.f32 s8, v11;
	v9 =	vmul.f32 s8, v9;
	s23 =	spop (v2sf);
	s16 =	smul.f32 s28, s12;
	v63 =	vld [tilespmem:s13+$0x10120]  }
0xaa: {  	v47 =	vsub.f32 v21, v61;
	v21 =	vmov s11;
	v10 =	vmul.f32 s8, v10;
	s14 =	smul.f32 $1.562500000e-02, s23;
	s24 =	spop (v2sf);
	v16, _, _ =	vpop (xrf2);
	v33 =	vld [tilespmem:s15+$0xFFFFFF10];
	(xrf2) =	vadd.scan.msk.f32 $0xffff, v22  }
0xab: {  	v11 =	vmul.f32 v11, v0;
	v9 =	vmul.f32 v9, v1;
	s19 =	sadd.s32 $0x4, s22;
	v1 =	vld [tilespmem:s15+$0xFFFFFF80];
	s10 =	smul.f32 $1.562500000e-02, s24;
	(v2sf) =	vpush v16, $0xF  }
0xac: {  	v50 =	vsub.f32 v13, v21;
	v13 =	vsub.f32 v15, v21;
	s31 =	ssub.f32 $1.500000000e+00, s31;
	s12 =	sshll.u32 s19, $0x9;
	v22 =	vld [tilespmem:s13+$0x10100];
	v15, _, _ =	vpop (xrf2);
	s24 =	smul.f32 s14, s14  }
0xad: {  	v10 =	vmul.f32 v10, v5;
	p2 =	slt.u32 s19, $0xC8;
	s1 =	ssub.f32 $1.500000000e+00, s1;
	s28 =	sadd.s32 $0xFFFE7000, s12;
	v16 =	vsub.f32 v12, v21;
	v12 =	vld [tilespmem:s13+$0x10130];
	(v2sf) =	vpush v15, $0xF  }
0xae: {  	v54 =	vsub.f32 v8, v52;
	v51 =	vadd.f32 v11, v6;
	s11 =	smul.f32 s25, s31;
	v26 =	vld [tilespmem:s15+$0xFFFFFF90];
	s28 =	smov.u32 @p2 s12;
	s26 =	ssub.f32 s10, s24  }
0xaf: {  	v52 =	vadd.f32 v10, v4;
	v15 =	vsub.f32 v14, v21;
	v11, _, _ =	vpop (xrf2);
	v21 =	vld [tilespmem:s15+$0xFFFFFF00];
	s19 =	sshra.s32 s28, $0x2;
	s10 =	smul.f32 s29, s1  }
0xb0: {  	v45 =	vadd.f32 v9, v2;
	(v2sf) =	vpush v11, $0xF;
	v10 =	vld [tilespmem:s19+$0x10100];
	s24 =	smul.f32 s11, s17;
	s21 =	sadd.f32 $9.999999740e-06, s26  }
0xb1: {  	v55 =	vld [tilespmem:s19+$0x10110];
	v5 =	vadd.f32 v62, v24;
	s26 =	sadd.s32 $0x5, s22;
	s28 =	smul.f32 s10, s18;
	v11 =	vadd.f32 v22, v23  }
0xb2: {  	v28 =	vld [tilespmem:s15+$0xFFFFFFA0];
	v8, _, _ =	vpop (xrf2);
	v9 =	vadd.f32 v63, v17;
	v14 =	vadd.f32 v12, v18;
	s18 =	sshll.u32 s26, $0x9;
	s23 =	sshrl.u32 s21, $0x1;
	s25 =	smul.f32 $5.000000000e-01, s21  }
0xb3: {  	v2 =	vld [tilespmem:s15+$0xFFFFFFB0];
	(v2sf) =	vpush v8, $0xF;
	p2 =	slt.u32 s26, $0xC8;
	v22 =	vmul.f32 v5, v5;
	s29 =	sadd.s32 $0xFFFE7000, s18;
	v18 =	vmul.f32 v11, v11;
	s13 =	ssub.s32 $0x5F3759DF, s23  }
0xb4: {  	v56 =	vld [tilespmem:s19+$0x10120];
	v24 =	vmul.f32 v9, v9;
	v17 =	vadd.f32 v5, v11;
	v23 =	vadd.f32 v14, v9;
	s29 =	smov.u32 @p2 s18;
	s30 =	smul.f32 s13, s25;
	v12, _, _ =	vpop (xrf2);
	s23 =	spop (v2sf)  }
0xb5: {  	v41 =	vld [tilespmem:s19+$0x10130];
	s22 =	sadd.s32 $0x6, s22;
	v40 =	vmul.f32 v14, v14;
	s29 =	sshra.s32 s29, $0x2;
	v18 =	vadd.f32 v22, v18;
	(v2sf) =	vpush v12, $0xF;
	s26 =	smul.f32 $1.562500000e-02, s23  }
0xb6: {  	s1 =	sshll.u32 s22, $0x9;
	s17 =	smul.f32 s28, s10;
	v57 =	vld [tilespmem:s29+$0x10100];
	v12 =	vadd.f32 v10, v21;
	v10 =	vadd.f32 v55, v33  }
0xb7: {  	s28 =	sadd.s32 $0xFFFE7000, s1;
	p2 =	slt.u32 s22, $0xC8;
	v17 =	vadd.f32 v23, v17;
	v58 =	vld [tilespmem:s29+$0x10110];
	s21 =	smul.f32 s13, s30;
	v21 =	vadd.f32 v40, v24;
	v22 =	vmov s26  }
0xb8: {  	s28 =	smov.u32 @p2 s1;
	v55 =	vld [tilespmem:s29+$0x10120];
	v23 =	vmul.f32 v12, v12;
	v61 =	vadd.f32 v10, v12;
	v24 =	vmul.f32 v10, v10  }
0xb9: {  	s18 =	smul.f32 s24, s11;
	v59 =	vld [tilespmem:s29+$0x10130];
	s30 =	sshra.s32 s28, $0x2;
	(xrf2) =	vadd.scan.msk.f32 $0xffff, v17;
	s12 =	ssub.f32 $1.500000000e+00, s21;
	v21 =	vadd.f32 v21, v18;
	v17 =	vsub.f32 v29, v22  }
0xba: {  	v62 =	vld [tilespmem:s30+$0x10110];
	s24 =	smul.f32 s26, s26;
	v18 =	vsub.f32 v31, v22;
	v31 =	vmov s14;
	s21 =	spop (v2sf);
	v44 =	vadd.f32 v24, v23  }
0xbb: {  	v63 =	vld [tilespmem:s30+$0x10120];
	(xrf2) =	vadd.scan.msk.f32 $0xffff, v21;
	v21 =	vsub.f32 v25, v22;
	v33 =	vsub.f32 v20, v31;
	s1 =	smul.f32 $1.562500000e-02, s21  }
0xbc: {  	v40 =	vld [tilespmem:s30+$0x10130];
	s12 =	smul.f32 s13, s12;
	v24 =	vsub.f32 v27, v22;
	v42 =	vsub.f32 v7, v31;
	s23 =	spop (v2sf)  }
0xbd: {  	v29 =	vld [tilespmem:s15+$0xFFFFFF20];
	v26 =	vadd.f32 v58, v26;
	v28 =	vadd.f32 v55, v28;
	s26 =	smul.f32 $1.562500000e-02, s23;
	v23 =	vmov s1  }
0xbe: {  	s19 =	smul.f32 s12, s25;
	v22 =	vsub.f32 v30, v23;
	v30 =	vld [tilespmem:s15+$0xFFFFFF30];
	v20 =	vsub.f32 v34, v23  }
0xbf: {  	v43 =	vmov s26;
	v27 =	vsub.f32 v32, v23;
	v25 =	vsub.f32 v19, v23;
	v32 =	vld [tilespmem:s15+$0x10]  }
0xc0: {  	s22 =	smul.f32 s19, s12;
	v19 =	vadd.f32 v57, v1;
	v57 =	vld [tilespmem:s15+$0x20];
	v23 =	vsub.f32 v35, v43  }
0xc1: {  	s20 =	smul.f32 s16, s20;
	v1 =	vld [tilespmem:s15+$0x30];
	v37 =	vsub.f32 v37, v43;
	v38 =	vsub.f32 v38, v43  }
0xc2: {  	v60 =	vld [tilespmem:s30+$0x10100];
	v36 =	vsub.f32 v39, v43;
	v43 =	vsub.f32 v53, v31;
	s22 =	ssub.f32 $1.500000000e+00, s22  }
0xc3: {  	s20 =	smul.f32 s20, s16;
	v35 =	vadd.f32 v56, v29;
	v53 =	vld [tilespmem:s15+$0x0];
	v39 =	vadd.f32 v26, v19  }
0xc4: {  	s14 =	smul.f32 s22, s12;
	v29 =	vadd.f32 v41, v30;
	v41 =	vsub.f32 v3, v31  }
0xc5: {  	s20 =	ssub.f32 $1.500000000e+00, s20;
	s29 =	spop (v2sf);
	v32 =	vadd.f32 v62, v32;
	v34 =	vadd.f32 v63, v57  }
0xc6: {  	s1 =	smul.f32 s1, s1;
	s30 =	spop (v2sf);
	v30, _, _ =	vpop (xrf2);
	v58 =	vmul.f32 s14, v33;
	v33 =	vadd.f32 v40, v1;
	v56 =	vadd.f32 v29, v35  }
0xc7: {  	s19 =	smul.f32 $1.562500000e-02, s30;
	v55 =	vmul.f32 v35, v35;
	v31, _, _ =	vpop (xrf2);
	s21 =	spop (v2sf);
	(v2sf) =	vpush v30, $0xF;
	v30 =	vadd.f32 v59, v2  }
0xc8: {  	s23 =	ssub.f32 $1.500000000e+00, s18;
	s12 =	smul.f32 $1.562500000e-02, s29;
	v2 =	vmul.f32 v29, v29;
	(v2sf) =	vpush v31, $0xF;
	v31 =	vadd.f32 v60, v53  }
0xc9: {  	s1 =	ssub.f32 s19, s1;
	v62 =	vmul.f32 v32, v32;
	v60 =	vadd.f32 v56, v61;
	v61 =	vadd.f32 v30, v28  }
0xca: {  	s13 =	smul.f32 s26, s26;
	s12 =	ssub.f32 s12, s24;
	v63 =	vadd.f32 v33, v34;
	v55 =	vadd.f32 v2, v55;
	v2 =	vmul.f32 v31, v31  }
0xcb: {  	s18 =	simm.s32 $0x8200;
	s29 =	smul.f32 s23, s11;
	s23 =	ssub.f32 $1.500000000e+00, s17;
	v58 =	vmul.f32 v58, v0;
	v39 =	vadd.f32 v61, v39;
	v61 =	vadd.f32 v32, v31  }
0xcc: {  	v54 =	vmul.f32 s8, v54;
	[tilespmem:s18+$0xB0] =	vst v51;
	s12 =	sadd.f32 $9.999999740e-06, s12;
	s8 =	smul.f32 $1.562500000e-02, s21;
	v59 =	vadd.f32 v62, v2  }
0xcd: {  	[tilespmem:s18+$0x80] =	vst v52;
	s22 =	smul.f32 s20, s16;
	s17 =	simm.s32 $0x8400;
	s1 =	sadd.f32 $9.999999740e-06, s1;
	v62 =	vadd.f32 v63, v61;
	v63 =	vadd.f32 v58, v6  }
0xce: {  	v7 =	vld [tilespmem:$0x1FFA0];
	[tilespmem:s18+$0x90] =	vst v45;
	s25 =	smul.f32 $5.000000000e-01, s12;
	s12 =	sshrl.u32 s12, $0x1;
	s8 =	ssub.f32 s8, s13  }
0xcf: {  	v51 =	vld [tilespmem:$0x1FF60];
	s24 =	sshrl.u32 s1, $0x1;
	s20 =	smul.f32 $5.000000000e-01, s1;
	s11 =	ssub.s32 $0x5F3759DF, s12;
	[tilespmem:s17+$0xB0] =	vst v63  }
0xd0: {  	s12 =	ssub.s32 $0x5F3759DF, s24;
	s26 =	smul.f32 s11, s25;
	s8 =	sadd.f32 $9.999999740e-06, s8;
	v58 =	vld [tilespmem:$0x1FF80]  }
0xd1: {  	s30 =	smul.f32 s12, s20;
	v63 =	vld [tilespmem:$0x1FF90]  }
0xd2: {  	v53 =	vmul.f32 v19, v19;
	v56 =	vmul.f32 v26, v26;
	s19 =	sshrl.u32 s8, $0x1;
	s31 =	smul.f32 $5.000000000e-01, s8  }
0xd3: {  	v57 =	vmul.f32 v28, v28;
	v1 =	vmul.f32 v30, v30;
	s1 =	smul.f32 s11, s26;
	s21 =	ssub.s32 $0x5F3759DF, s19  }
0xd4: {  	v53 =	vadd.f32 v56, v53;
	s16 =	smul.f32 s21, s31  }
0xd5: {  	v57 =	vadd.f32 v1, v57;
	v1 =	vmul.f32 v34, v34;
	(xrf2) =	vadd.scan.msk.f32 $0xffff, v60;
	v2 =	vmul.f32 v33, v33;
	s13 =	smul.f32 s12, s30;
	s1 =	ssub.f32 $1.500000000e+00, s1;
	v56 =	vld [tilespmem:$0x1FF70]  }
0xd6: {  	v61 =	vadd.f32 v55, v44;
	s28 =	smul.f32 s21, s16;
	v44 =	vmul.f32 s22, v58;
	v58 =	vmul.f32 s22, v63;
	v63 =	vld [tilespmem:$0x1FFB0]  }
0xd7: {  	v54 =	vmul.f32 v54, v7;
	s26 =	ssub.f32 $1.500000000e+00, s13;
	s16 =	smul.f32 s11, s1  }
0xd8: {  	v40 =	vmul.f32 s14, v43;
	v51 =	vmul.f32 s22, v51;
	v45 =	vadd.f32 v2, v1;
	s30 =	ssub.f32 $1.500000000e+00, s28;
	s28 =	smul.f32 s23, s10  }
0xd9: {  	v52 =	vmul.f32 s29, v46;
	v43 =	vmul.f32 s29, v49;
	v60 =	vadd.f32 v57, v53;
	(xrf2) =	vadd.scan.msk.f32 $0xffff, v39;
	s10 =	smul.f32 s12, s26  }
0xda: {  	v57 =	vmul.f32 s29, v48;
	v59 =	vadd.f32 v45, v59;
	v56 =	vmul.f32 s22, v56;
	s22 =	smul.f32 s16, s25  }
0xdb: {  	v8 =	vmovc v0;
	(xrf2) =	vadd.scan.msk.f32 $0xffff, v62;
	v45 =	vmul.f32 s29, v47;
	s11 =	simm.s32 $0x8;
	s8 =	smul.f32 s21, s30;
	v39 =	vmul.f32 s28, v50;
	v49 =	vadd.f32 v54, v63  }
.LBB2_6:
0xdc: {  	_ = 	snop  }
0xdd: {  	v46 =	vmul.f32 s28, v13;
	v0 =	vld [tilespmem:$0x1FFC0]  }
0xde: {  	s1 =	rddreg [dreg:$0x5];
	v47 =	vmul.f32 s28, v16;
	v16 =	vmovc v38;
	v38 =	vmul.f32 s28, v15;
	v1 =	vld [tilespmem:$0x1FFD0];
	s15 =	sadd.s32 $0x200, s15;
	(xrf2) =	vadd.scan.msk.f32 $0xffff, v61  }
0xdf: {  	v13 =	vmov v37;
	v37 =	vmul.f32 s14, v41;
	v41 =	vmul.f32 s14, v42;
	v3 =	vld [tilespmem:$0x1FFF0];
	[tilespmem:s18+$0xA0] =	vst v49;
	s25 =	smul.f32 s8, s31;
	s1 =	sadd.s32 s11, s1;
	s12 =	spop (v2sf);
	v54, _, _ =	vpop (xrf2)  }
0xe0: {  	v2 =	vld [tilespmem:$0x1FFE0];
	v48 =	vmul.f32 v58, v8;
	s13 =	sadd.s32 $0x7, s1;
	v38 =	vmul.f32 v38, v8;
	(xrf2) =	vadd.scan.msk.f32 $0xffff, v60;
	s31 =	smul.f32 $1.562500000e-02, s12;
	s24 =	spop (v2sf);
	(v2sf) =	vpush v54, $0xF  }
0xe1: {  	v50 =	vld [tilespmem:s15+$0x80];
	p3 =	slt.u32 s13, $0xC8;
	s13 =	sshll.u32 s13, $0x9;
	v44 =	vmul.f32 v44, v7;
	v43 =	vmul.f32 v43, v7;
	s12 =	smul.f32 $1.562500000e-02, s24  }
0xe2: {  	v53 =	vld [tilespmem:s15+$0x90];
	v47 =	vmul.f32 v47, v7;
	v38 =	vadd.f32 v38, v6;
	v55 =	vmul.f32 v51, v0;
	s24 =	sadd.s32 $0xFFFE7000, s13;
	s26 =	smul.f32 s31, s31  }
0xe3: {  	v61 =	vmul.f32 v56, v1;
	v62 =	vmul.f32 v57, v0;
	v51 =	vld [tilespmem:s15+$0xA0];
	v44 =	vadd.f32 v44, v63;
	v56, _, _ =	vpop (xrf2);
	s24 =	smov.u32 @p3 s13  }
0xe4: {  	v15 =	vmovc v36;
	v52 =	vmul.f32 v52, v1;
	v42 =	vadd.f32 v55, v3;
	(xrf2) =	vadd.scan.msk.f32 $0xffff, v59;
	v54 =	vld [tilespmem:s15+$0xB0];
	(v2sf) =	vpush v56, $0xF;
	s13 =	sshra.s32 s24, $0x2;
	s12 =	ssub.f32 s12, s26  }
0xe5: {  	s20 =	smul.f32 s10, s20;
	s28 =	sadd.s32 $0x4, s1;
	v58 =	vmul.f32 v39, v0;
	v36 =	vadd.f32 v61, v2;
	v60 =	vadd.f32 v48, v6;
	[tilespmem:s18+$0xFFFFFF20] =	vst v44;
	v59, _, _ =	vpop (xrf2);
	v48 =	vld [tilespmem:s13+$0x10100]  }
0xe6: {  	s29 =	sadd.s32 $0x5, s1;
	v39 =	vmul.f32 v41, v7;
	v61 =	vadd.f32 v62, v3;
	[tilespmem:s18+$0xFFFFFF00] =	vst v42;
	(v2sf) =	vpush v59, $0xF;
	s24 =	sshll.u32 s28, $0x9;
	v41 =	vld [tilespmem:s13+$0x10110];
	s12 =	sadd.f32 $9.999999740e-06, s12  }
0xe7: {  	s1 =	sadd.s32 $0x6, s1;
	v57 =	vmul.f32 v45, v8;
	v46 =	vmul.f32 v46, v1;
	v62 =	vadd.f32 v52, v2;
	[tilespmem:s18+$0xFFFFFF10] =	vst v36;
	p3 =	slt.u32 s28, $0xC8;
	s21 =	sadd.s32 $0xFFFE7000, s24;
	v52 =	vld [tilespmem:s13+$0x10120]  }
0xe8: {  	v40 =	vmul.f32 v40, v0;
	v43 =	vadd.f32 v43, v63;
	v47 =	vadd.f32 v47, v63;
	[tilespmem:s18+$0xFFFFFF30] =	vst v60;
	v0, _, _ =	vpop (xrf2);
	v55 =	vld [tilespmem:s13+$0x10130];
	s21 =	smov.u32 @p3 s24;
	s23 =	sshrl.u32 s12, $0x1;
	s14 =	smul.f32 $5.000000000e-01, s12  }
0xe9: {  	s20 =	smul.f32 s20, s10;
	v37 =	vmul.f32 v37, v1;
	v1 =	vadd.f32 v58, v3;
	[tilespmem:s18+$0xFFFFFF80] =	vst v61;
	(v2sf) =	vpush v0, $0xF;
	v0 =	vld [tilespmem:s15+$0xFFFFFF00];
	s21 =	sshra.s32 s21, $0x2;
	s23 =	ssub.s32 $0x5F3759DF, s23  }
0xea: {  	s30 =	sshll.u32 s29, $0x9;
	p4 =	slt.u32 s29, $0xC8;
	v40 =	vadd.f32 v40, v3;
	v42 =	vadd.f32 v57, v6;
	[tilespmem:s18+$0xFFFFFF90] =	vst v62;
	v62 =	vld [tilespmem:s21+$0x10100];
	v61, _, _ =	vpop (xrf2);
	s29 =	smul.f32 s23, s14  }
0xeb: {  	s19 =	sshll.u32 s1, $0x9;
	s25 =	smul.f32 s25, s8;
	[tilespmem:s18+$0x30] =	vst v38;
	v60 =	vld [tilespmem:s15+$0xFFFFFF10];
	v57 =	vadd.f32 v48, v50;
	(v2sf) =	vpush v61, $0xF  }
0xec: {  	s26 =	sadd.s32 $0xFFFE7000, s19;
	[tilespmem:s17+$0x80] =	vst v40;
	v40 =	vld [tilespmem:s15+$0xFFFFFF20];
	v49 =	vadd.f32 v41, v53;
	v44 =	vadd.f32 v52, v51;
	s13 =	smul.f32 s23, s29  }
0xed: {  	v46 =	vadd.f32 v46, v2;
	[tilespmem:s18+$0xFFFFFFA0] =	vst v43;
	p3 =	slt.u32 s1, $0xC8;
	s24 =	smul.f32 s22, s16;
	v63 =	vld [tilespmem:s21+$0x10110];
	s12 =	sadd.s32 $0xFFFE7000, s30;
	v36 =	vadd.f32 v55, v54;
	v48 =	vmul.f32 v57, v57  }
0xee: {  	v37 =	vadd.f32 v37, v2;
	[tilespmem:s18+$0x0] =	vst v1;
	s26 =	smov.u32 @p3 s19;
	s12 =	smov.u32 @p4 s30;
	v41 =	vld [tilespmem:s21+$0x10120];
	v1, _, _ =	vpop (xrf2);
	v53 =	vmul.f32 v49, v49;
	v43 =	vmul.f32 v44, v44;
	s13 =	ssub.f32 $1.500000000e+00, s13  }
0xef: {  	[tilespmem:s18+$0xFFFFFFB0] =	vst v42;
	s28 =	ssub.f32 $1.500000000e+00, s24;
	v51 =	vld [tilespmem:s21+$0x10130];
	s12 =	sshra.s32 s12, $0x2;
	v38 =	vadd.f32 v62, v0;
	v0 =	vmul.f32 v36, v36;
	s24 =	spop (v2sf);
	(v2sf) =	vpush v1, $0xF  }
0xf0: {  	v2 =	vadd.f32 v49, v57;
	v58 =	vld [tilespmem:s12+$0x10100];
	v52 =	vadd.f32 v36, v44;
	s29 =	sshra.s32 s26, $0x2;
	s26 =	smul.f32 s23, s13  }
0xf1: {  	[tilespmem:s18+$0x20] =	vst v47;
	v59 =	vld [tilespmem:s12+$0x10110];
	v53 =	vadd.f32 v53, v48;
	v43 =	vadd.f32 v0, v43;
	s13 =	smul.f32 $1.562500000e-02, s24  }
0xf2: {  	[tilespmem:s18+$0x10] =	vst v46;
	s22 =	ssub.f32 $1.500000000e+00, s25;
	v56 =	vld [tilespmem:s12+$0x10120];
	v1 =	vadd.f32 v63, v60;
	s14 =	smul.f32 s26, s14  }
0xf3: {  	v2 =	vadd.f32 v52, v2;
	v62 =	vld [tilespmem:s29+$0x10100];
	v52 =	vmul.f32 v38, v38;
	s30 =	spop (v2sf);
	v55 =	vadd.f32 v43, v53;
	s25 =	smul.f32 s13, s13  }
0xf4: {  	v0 =	vld [tilespmem:s29+$0x10120];
	v61 =	vadd.f32 v1, v38;
	v54 =	vmul.f32 v1, v1;
	v46 =	vmov s13;
	s13 =	smul.f32 $1.562500000e-02, s30  }
0xf5: {  	v60 =	vld [tilespmem:s12+$0x10130];
	s21 =	spop (v2sf);
	v45 =	vsub.f32 v12, v46;
	v43 =	vsub.f32 v10, v46;
	s14 =	smul.f32 s14, s26  }
0xf6: {  	(xrf2) =	vadd.scan.msk.f32 $0xffff, v2;
	v63 =	vld [tilespmem:s29+$0x10110];
	s23 =	smul.f32 $1.562500000e-02, s21;
	v47 =	vadd.f32 v54, v52;
	v50 =	vsub.f32 v35, v46  }
0xf7: {  	(xrf2) =	vadd.scan.msk.f32 $0xffff, v55;
	v10 =	vmovc v1;
	v1 =	vmov s31;
	v52 =	vsub.f32 v29, v46;
	v29 =	vld [tilespmem:s15+$0xFFFFFF30];
	v35 =	vadd.f32 v41, v40;
	s24 =	smul.f32 s13, s13;
	s12 =	ssub.f32 $1.500000000e+00, s14  }
0xf8: {  	[tilespmem:s17+$0x90] =	vst v37;
	v2 =	vld [tilespmem:s29+$0x10130];
	v37 =	vmov s13;
	v48 =	vsub.f32 v14, v1;
	s29 =	smul.f32 s23, s23;
	v41 =	vsub.f32 v5, v1  }
0xf9: {  	v55 =	vsub.f32 v19, v37;
	v19 =	vmov s23;
	v46 =	vsub.f32 v28, v37;
	v28 =	vld [tilespmem:s15+$0xFFFFFF80];
	s14 =	smul.f32 s12, s26;
	s26 =	spop (v2sf)  }
0xfa: {  	v53 =	vsub.f32 v26, v37;
	v54 =	vsub.f32 v31, v19;
	v31 =	vld [tilespmem:s15+$0xFFFFFFA0];
	s12 =	smul.f32 $1.562500000e-02, s26;
	s30 =	spop (v2sf)  }
0xfb: {  	v12 =	vmovc v38;
	v14 =	vmov v36;
	v38 =	vsub.f32 v34, v19;
	v36 =	vsub.f32 v33, v19;
	v33 =	vld [tilespmem:s15+$0x0];
	s19 =	smul.f32 $1.562500000e-02, s30  }
0xfc: {  	v29 =	vadd.f32 v51, v29;
	v26 =	vmul.f32 s14, v48;
	v48 =	vsub.f32 v30, v37;
	v30 =	vld [tilespmem:s15+$0xFFFFFF90];
	s12 =	ssub.f32 s12, s25;
	s25 =	smul.f32 s28, s16  }
0xfd: {  	v37 =	vsub.f32 v32, v19;
	v19 =	vsub.f32 v11, v1;
	v32 =	vld [tilespmem:s15+$0xFFFFFFB0];
	s28 =	smul.f32 s22, s8;
	s1 =	ssub.f32 s19, s24  }
0xfe: {  	v42 =	vsub.f32 v9, v1;
	v11 =	vmovc v57;
	v57 =	vld [tilespmem:s15+$0x10];
	v1 =	vadd.f32 v29, v35;
	v26 =	vmul.f32 v26, v8;
	s12 =	sadd.f32 $9.999999740e-06, s12;
	s19 =	spop (v2sf)  }
0xff: {  	s20 =	ssub.f32 $1.500000000e+00, s20;
	s18 =	smov.u32 s17;
	v40 =	vmul.f32 s14, v19;
	v19 =	vadd.f32 v58, v28;
	v28 =	vadd.f32 v56, v31;
	v56 =	vld [tilespmem:s15+$0x30];
	s16 =	smul.f32 $1.562500000e-02, s19  }
0x100: {  	s17 =	sadd.s32 $0x200, s17;
	v51 =	vmul.f32 v35, v35;
	v34, _, _ =	vpop (xrf2);
	v31 =	vadd.f32 v62, v33;
	v26 =	vadd.f32 v26, v6;
	s1 =	sadd.f32 $9.999999740e-06, s1;
	s30 =	smul.f32 $5.000000000e-01, s12  }
0x101: {  	v58 =	vmul.f32 v29, v29;
	v9, _, _ =	vpop (xrf2);
	v1 =	vadd.f32 v1, v61;
	(v2sf) =	vpush v34, $0xF;
	s21 =	sshrl.u32 s12, $0x1;
	s13 =	ssub.f32 s16, s29;
	s29 =	smul.f32 s20, s10  }
0x102: {  	v5 =	vmovc v49;
	v49 =	vmul.f32 v19, v19;
	(v2sf) =	vpush v9, $0xF;
	[tilespmem:s17+$0xB0] =	vst v26;
	v26 =	vadd.f32 v59, v30;
	s12 =	ssub.s32 $0x5F3759DF, s21;
	s23 =	sshrl.u32 s1, $0x1;
	s20 =	smul.f32 $5.000000000e-01, s1  }
0x103: {  	v3 =	vmul.f32 v28, v28;
	v59 =	vld [tilespmem:s15+$0x20];
	v30 =	vadd.f32 v60, v32;
	v32 =	vadd.f32 v63, v57;
	s24 =	smul.f32 s12, s30;
	s10 =	ssub.s32 $0x5F3759DF, s23;
	s13 =	sadd.f32 $9.999999740e-06, s13  }
0x104: {  	v63 =	vld [tilespmem:$0x1FFB0];
	v57 =	vadd.f32 v58, v51;
	v51 =	vmul.f32 s25, v17;
	v33 =	vadd.f32 v2, v56;
	s26 =	smul.f32 s10, s20  }
0x105: {  	v9 =	vmovc v44;
	v60 =	vmul.f32 v26, v26;
	v44 =	vadd.f32 v26, v19;
	v62 =	vadd.f32 v30, v28;
	s21 =	sshrl.u32 s13, $0x1;
	s31 =	smul.f32 $5.000000000e-01, s13  }
0x106: {  	v4 =	vmul.f32 v30, v30;
	v2 =	vadd.f32 v32, v31;
	v56 =	vmul.f32 v32, v32;
	s1 =	smul.f32 s12, s24;
	s13 =	ssub.s32 $0x5F3759DF, s21  }
0x107: {  	(xrf2) =	vadd.scan.msk.f32 $0xffff, v1;
	v17 =	vmovc v45;
	v45 =	vmul.f32 s29, v25;
	v44 =	vadd.f32 v62, v44;
	v1 =	vadd.f32 v60, v49;
	s19 =	smul.f32 s13, s31  }
0x108: {  	s11 =	sadd.s32 $0x4, s11;
	v62 =	vmul.f32 v33, v33;
	v3 =	vadd.f32 v4, v3;
	v34 =	vadd.f32 v0, v59;
	s23 =	smul.f32 s10, s26  }
0x109: {  	p2 =	slt.u32 s11, $0x7C;
	v0 =	vmul.f32 v31, v31;
	s1 =	ssub.f32 $1.500000000e+00, s1;
	v49 =	vadd.f32 v39, v63;
	v39 =	vmul.f32 s28, v23;
	s19 =	smul.f32 s13, s19  }
.Ltmp4:
0x10a: {  	v25 =	vmovc v48;
	v60 =	vadd.f32 v3, v1;
	v58 =	vmul.f32 v34, v34;
	v61 =	vadd.f32 v33, v34;
	s24 =	ssub.f32 $1.500000000e+00, s23;
	(pc) =	sbr.rel @p2 .LBB2_6-.Ltmp4, $4  }
0x10b: {  	v23 =	vmovc v54;
	(xrf2) =	vadd.scan.msk.f32 $0xffff, v44;
	v44 =	vmul.f32 s25, v21;
	v0 =	vadd.f32 v56, v0;
	s16 =	smul.f32 s12, s1;
	v56 =	vmul.f32 s25, v18  }
0x10c: {  	v21 =	vmovc v50;
	v18 =	vmovc v43;
	v43 =	vmul.f32 s29, v27;
	v2 =	vadd.f32 v61, v2;
	v4 =	vadd.f32 v62, v58;
	s10 =	smul.f32 s10, s24;
	s26 =	ssub.f32 $1.500000000e+00, s19  }
0x10d: {  	v27 =	vmovc v46;
	v61 =	vadd.f32 v57, v47;
	v58 =	vmul.f32 s25, v24;
	v57 =	vmul.f32 s29, v22;
	v24 =	vmovc v52;
	s22 =	smul.f32 s16, s30  }
0x10e: {  	v7 =	vld [tilespmem:$0x1FFA0];
	v22 =	vmovc v55;
	v52 =	vmul.f32 s29, v20;
	v20 =	vmov v53;
	v59 =	vadd.f32 v4, v0;
	(xrf2) =	vadd.scan.msk.f32 $0xffff, v2;
	s8 =	smul.f32 s13, s26  }
0x10f: {  	(xrf2) =	vadd.scan.msk.f32 $0xffff, v61;
	_ =	sdelay $0x5  }
0x110: {  	s1 =	spop (v2sf)  }
0x111: {  	s1 =	smul.f32 $1.562500000e-02, s1;
	v0, _, _ =	vpop (xrf2);
	s11 =	spop (v2sf)  }
0x112: {  	s11 =	smul.f32 $1.562500000e-02, s11;
	(v2sf) =	vpush v0, $0xF;
	v53, _, _ =	vpop (xrf2)  }
0x113: {  	s12 =	smul.f32 s1, s1;
	(v2sf) =	vpush v53, $0xF;
	v54, _, _ =	vpop (xrf2)  }
0x114: {  	(v2sf) =	vpush v54, $0xF;
	v55, _, _ =	vpop (xrf2)  }
0x115: {  	s11 =	ssub.f32 s11, s12;
	(v2sf) =	vpush v55, $0xF;
	_ =	sdelay $0x1  }
0x116: {  	s11 =	sadd.f32 $9.999999740e-06, s11;
	_ =	sdelay $0x1  }
0x117: {  	(xrf2) =	vadd.scan.msk.f32 $0xffff, v60;
	s24 =	sshrl.u32 s11, $0x1;
	s11 =	smul.f32 $5.000000000e-01, s11  }
0x118: {  	s12 =	ssub.s32 $0x5F3759DF, s24  }
0x119: {  	s13 =	smul.f32 s12, s11  }
0x11a: {  	(xrf2) =	vadd.scan.msk.f32 $0xffff, v59  }
0x11b: {  	s13 =	smul.f32 s12, s13;
	_ =	sdelay $0x1  }
0x11c: {  	s19 =	smul.f32 s10, s20;
	s13 =	ssub.f32 $1.500000000e+00, s13  }
0x11d: {  	s22 =	smul.f32 s22, s16  }
0x11e: {  	s12 =	smul.f32 s12, s13;
	s25 =	spop (v2sf)  }
0x11f: {  	s13 =	smul.f32 $1.562500000e-02, s25;
	s21 =	spop (v2sf)  }
0x120: {  	s19 =	smul.f32 s19, s10;
	v60, _, _ =	vpop (xrf2);
	s15 =	spop (v2sf)  }
0x121: {  	(v2sf) =	vpush v60, $0xF;
	s26 =	smul.f32 s13, s13;
	s23 =	spop (v2sf)  }
0x122: {  	s23 =	smul.f32 $1.562500000e-02, s23  }
0x123: {  	v61 =	vmul.f32 s28, v13;
	v48 =	vld [tilespmem:$0x1FFC0];
	s24 =	smul.f32 s8, s31;
	v1, _, _ =	vpop (xrf2)  }
0x124: {  	v2 =	vmul.f32 s28, v16;
	v3 =	vmul.f32 s28, v15;
	s11 =	smul.f32 s12, s11;
	(v2sf) =	vpush v1, $0xF;
	s20 =	ssub.f32 s23, s26  }
0x125: {  	v62 =	vmul.f32 s14, v41;
	v4 =	vmul.f32 s14, v42;
	s25 =	smul.f32 $1.562500000e-02, s21  }
0x126: {  	v3 =	vmul.f32 v3, v8;
	v47 =	vmov s1;
	v53 =	vmul.f32 v58, v8;
	v58 =	vld [tilespmem:$0x1FFF0];
	s11 =	smul.f32 s11, s12;
	s29 =	sadd.f32 $9.999999740e-06, s20  }
0x127: {  	s22 =	ssub.f32 $1.500000000e+00, s22;
	v43 =	vmul.f32 v43, v7;
	v2 =	vmul.f32 v2, v7;
	v55 =	vld [tilespmem:$0x1FFD0];
	v16 =	vmov s13;
	s13 =	smul.f32 s25, s25  }
0x128: {  	v3 =	vadd.f32 v3, v6;
	v13 =	vmul.f32 v51, v48;
	v51 =	vmul.f32 v44, v7;
	s30 =	sshrl.u32 s29, $0x1;
	s14 =	smul.f32 $5.000000000e-01, s29  }
0x129: {  	v14 =	vsub.f32 v14, v47;
	v11 =	vsub.f32 v11, v47;
	v54 =	vmul.f32 v57, v48;
	v57 =	vld [tilespmem:$0x1FFE0];
	s11 =	ssub.f32 $1.500000000e+00, s11;
	s20 =	smul.f32 s22, s16;
	s22 =	ssub.s32 $0x5F3759DF, s30  }
0x12a: {  	v4 =	vmul.f32 v4, v7;
	v5 =	vsub.f32 v5, v47;
	v41 =	vadd.f32 v51, v63;
	s23 =	smul.f32 s22, s14  }
0x12b: {  	v45 =	vmul.f32 v45, v8;
	v43 =	vadd.f32 v43, v63;
	[tilespmem:s18+$0xA0] =	vst v49;
	v13 =	vadd.f32 v13, v58;
	s11 =	smul.f32 s11, s12  }
0x12c: {  	v2 =	vadd.f32 v2, v63;
	v4 =	vadd.f32 v4, v63;
	[tilespmem:s18+$0xFFFFFF20] =	vst v41;
	v15 =	vmul.f32 v56, v55;
	s1 =	smul.f32 s22, s23  }
0x12d: {  	s19 =	ssub.f32 $1.500000000e+00, s19;
	v39 =	vmul.f32 v39, v48;
	v49 =	vsub.f32 v9, v47;
	[tilespmem:s18+$0xFFFFFF00] =	vst v13;
	v13 =	vadd.f32 v53, v6;
	s12 =	smul.f32 s24, s8  }
0x12e: {  	[tilespmem:s18+$0xFFFFFFA0] =	vst v43;
	v46 =	vmul.f32 v52, v55;
	v0 =	vmul.f32 v61, v55;
	v15 =	vadd.f32 v15, v57;
	s15 =	smul.f32 $1.562500000e-02, s15;
	s1 =	ssub.f32 $1.500000000e+00, s1  }
0x12f: {  	[tilespmem:s18+$0xFFFFFF30] =	vst v13;
	v13 =	vadd.f32 v39, v58;
	v60 =	vadd.f32 v54, v58;
	v1 =	vmul.f32 v62, v55;
	s16 =	smul.f32 s19, s10  }
0x130: {  	v40 =	vmul.f32 v40, v48;
	v0 =	vadd.f32 v0, v57;
	[tilespmem:s18+$0xFFFFFF10] =	vst v15;
	v15 =	vadd.f32 v46, v57;
	s26 =	spop (v2sf);
	s10 =	smul.f32 s22, s1  }
0x131: {  	[tilespmem:s17+$0xA0] =	vst v4;
	v62 =	vadd.f32 v45, v6;
	v1 =	vadd.f32 v1, v57;
	v14 =	vmul.f32 s11, v14;
	s1 =	smul.f32 $1.562500000e-02, s26  }
0x132: {  	[tilespmem:s18+$0xFFFFFF90] =	vst v15;
	v15 =	vadd.f32 v40, v58;
	s12 =	ssub.f32 $1.500000000e+00, s12;
	v11 =	vmul.f32 s11, v11;
	v4 =	vmul.f32 s11, v5;
	s30 =	smul.f32 s15, s15  }
0x133: {  	v45 =	vsub.f32 v12, v16;
	[tilespmem:s17+$0x90] =	vst v1;
	v1 =	vmul.f32 s11, v49;
	v14 =	vmul.f32 v14, v8;
	s19 =	spop (v2sf);
	s1 =	ssub.f32 s1, s13  }
0x134: {  	[tilespmem:s18+$0x20] =	vst v2;
	v46 =	vsub.f32 v10, v16;
	v11 =	vmul.f32 v11, v48;
	v4 =	vmul.f32 v4, v55;
	s13 =	smul.f32 $1.562500000e-02, s19  }
0x135: {  	[tilespmem:s18+$0x30] =	vst v3;
	v3 =	vsub.f32 v35, v16;
	v1 =	vmul.f32 v1, v7;
	s29 =	smul.f32 s12, s8;
	v17 =	vmul.f32 s20, v17;
	s1 =	sadd.f32 $9.999999740e-06, s1  }
0x136: {  	[tilespmem:s18+$0x0] =	vst v13;
	v16 =	vsub.f32 v29, v16;
	v18 =	vmul.f32 s20, v18;
	v21 =	vmul.f32 s20, v21;
	s14 =	smul.f32 s10, s14;
	s12 =	ssub.f32 s13, s30  }
0x137: {  	[tilespmem:s18+$0xFFFFFF80] =	vst v60;
	v61 =	vmov s25;
	v24 =	vmul.f32 s20, v24;
	v17 =	vmul.f32 v17, v48;
	s20 =	sshrl.u32 s1, $0x1;
	s1 =	smul.f32 $5.000000000e-01, s1  }
0x138: {  	[tilespmem:s17+$0x80] =	vst v15;
	v43 =	vmov s15;
	v22 =	vmul.f32 s16, v22;
	v15 =	vmul.f32 v18, v55;
	s22 =	smul.f32 s14, s10;
	s12 =	sadd.f32 $9.999999740e-06, s12;
	s15 =	ssub.s32 $0x5F3759DF, s20  }
0x139: {  	[tilespmem:s18+$0x10] =	vst v0;
	v12 =	vmul.f32 s16, v25;
	v9 =	vmul.f32 v21, v7;
	v17 =	vadd.f32 v17, v58;
	s21 =	smul.f32 s15, s1  }
0x13a: {  	[tilespmem:s18+$0xFFFFFFB0] =	vst v62;
	v13 =	vmul.f32 s16, v20;
	v5 =	vmul.f32 v24, v8;
	v15 =	vadd.f32 v15, v57;
	s23 =	sshrl.u32 s12, $0x1;
	s12 =	smul.f32 $5.000000000e-01, s12  }
0x13b: {  	v20 =	vmul.f32 s16, v27;
	v12 =	vmul.f32 v12, v8;
	v9 =	vadd.f32 v9, v63;
	[tilespmem:s17+$0xFFFFFF00] =	vst v17;
	s13 =	ssub.f32 $1.500000000e+00, s22;
	s11 =	ssub.s32 $0x5F3759DF, s23;
	s8 =	smul.f32 s15, s21  }
0x13c: {  	v10 =	vmul.f32 s29, v37;
	v18 =	vmul.f32 v22, v48;
	v5 =	vadd.f32 v5, v6;
	[tilespmem:s17+$0xFFFFFF10] =	vst v15;
	s24 =	smul.f32 s11, s12  }
0x13d: {  	v25 =	vmul.f32 s29, v38;
	v13 =	vmul.f32 v13, v55;
	v12 =	vadd.f32 v12, v6;
	[tilespmem:s17+$0xFFFFFF20] =	vst v9;
	s10 =	smul.f32 s13, s10;
	s8 =	ssub.f32 $1.500000000e+00, s8  }
0x13e: {  	v10 =	vmul.f32 v10, v55;
	v15 =	vmul.f32 v20, v7;
	v9 =	vadd.f32 v18, v58;
	[tilespmem:s17+$0xFFFFFF30] =	vst v5;
	s13 =	smul.f32 s11, s24  }
0x13f: {  	v14 =	vadd.f32 v14, v6;
	v23 =	vmul.f32 s29, v23;
	v5 =	vadd.f32 v13, v57;
	[tilespmem:s17+$0xFFFFFFB0] =	vst v12;
	s8 =	smul.f32 s15, s8  }
0x140: {  	v10 =	vadd.f32 v10, v57;
	v13 =	vadd.f32 v15, v63;
	[tilespmem:s17+$0xFFFFFF80] =	vst v9;
	v15 =	vmul.f32 v25, v7;
	s25 =	ssub.f32 $1.500000000e+00, s13  }
0x141: {  	v11 =	vadd.f32 v11, v58;
	[tilespmem:s17+$0xFFFFFF90] =	vst v5;
	v0 =	vmul.f32 s10, v45;
	v2 =	vmul.f32 s10, v46;
	s1 =	smul.f32 s8, s1  }
0x142: {  	v4 =	vadd.f32 v4, v57;
	[tilespmem:s17+$0x10] =	vst v10;
	s26 =	sadd.s32 $0x200, s17;
	v3 =	vmul.f32 s10, v3;
	v9 =	vmul.f32 s10, v16;
	s10 =	smul.f32 s11, s25  }
0x143: {  	v1 =	vadd.f32 v1, v63;
	v17 =	vmul.f32 v23, v48;
	v12 =	vsub.f32 v28, v61;
	[tilespmem:s26+$0xB0] =	vst v14;
	s1 =	smul.f32 s1, s8  }
0x144: {  	v27 =	vmul.f32 s29, v36;
	v5 =	vsub.f32 v19, v61;
	[tilespmem:s26+$0x80] =	vst v11;
	v15 =	vadd.f32 v15, v63;
	s11 =	smul.f32 s10, s12  }
0x145: {  	v10 =	vsub.f32 v31, v43;
	[tilespmem:s17+$0xFFFFFFA0] =	vst v13;
	v16 =	vadd.f32 v17, v58;
	s1 =	ssub.f32 $1.500000000e+00, s1  }
0x146: {  	v14 =	vsub.f32 v33, v43;
	v13 =	vsub.f32 v26, v61;
	[tilespmem:s17+$0x20] =	vst v15;
	v17 =	vmul.f32 v27, v8;
	s11 =	smul.f32 s11, s10  }
0x147: {  	v15 =	vsub.f32 v32, v43;
	[tilespmem:s17+$0x0] =	vst v16;
	v16 =	vsub.f32 v30, v61;
	v0 =	vmul.f32 v0, v48;
	s1 =	smul.f32 s1, s8  }
0x148: {  	[tilespmem:s26+$0x90] =	vst v4;
	v17 =	vadd.f32 v17, v6;
	v2 =	vmul.f32 v2, v55;
	v3 =	vmul.f32 v3, v7  }
0x149: {  	[tilespmem:s26+$0xA0] =	vst v1;
	v50 =	vmul.f32 v9, v8;
	v0 =	vadd.f32 v0, v58;
	s11 =	ssub.f32 $1.500000000e+00, s11;
	v4 =	vmul.f32 s1, v5  }
0x14a: {  	[tilespmem:s17+$0x30] =	vst v17;
	v17 =	vsub.f32 v34, v43;
	v2 =	vadd.f32 v2, v57;
	v5 =	vmul.f32 s1, v13  }
0x14b: {  	v51 =	vadd.f32 v3, v63;
	[tilespmem:s26+$0xFFFFFF00] =	vst v0;
	s10 =	smul.f32 s11, s10;
	v9 =	vmul.f32 s1, v12;
	v4 =	vmul.f32 v4, v48  }
0x14c: {  	v1 =	vadd.f32 v50, v6;
	[tilespmem:s26+$0xFFFFFF10] =	vst v2;
	v3 =	vmul.f32 s1, v16;
	v5 =	vmul.f32 v5, v55  }
0x14d: {  	[tilespmem:s26+$0xFFFFFF20] =	vst v51;
	v52 =	vmul.f32 s10, v10;
	v9 =	vmul.f32 v9, v7;
	v53 =	vadd.f32 v4, v58  }
0x14e: {  	[tilespmem:s26+$0xFFFFFF30] =	vst v1;
	v3 =	vmul.f32 v3, v8;
	v56 =	vmul.f32 s10, v14;
	v54 =	vadd.f32 v5, v57  }
0x14f: {  	v4 =	vmul.f32 s10, v15;
	v2 =	vmul.f32 v52, v48;
	v9 =	vadd.f32 v9, v63;
	[tilespmem:s26+$0xFFFFFF80] =	vst v53  }
0x150: {  	v5 =	vmul.f32 s10, v17;
	v3 =	vadd.f32 v3, v6;
	v0 =	vmul.f32 v56, v8;
	[tilespmem:s26+$0xFFFFFF90] =	vst v54  }
0x151: {  	v4 =	vmul.f32 v4, v55;
	v2 =	vadd.f32 v2, v58;
	[tilespmem:s26+$0xFFFFFFA0] =	vst v9  }
0x152: {  	v59 =	vmul.f32 v5, v7;
	[tilespmem:s26+$0xFFFFFFB0] =	vst v3;
	v0 =	vadd.f32 v0, v6  }
0x153: {  	v4 =	vadd.f32 v4, v57;
	[tilespmem:s26+$0x0] =	vst v2  }
0x154: {  	s29 =	sadd.s32 s6, s4;
	v1 =	vadd.f32 v59, v63;
	[tilespmem:s26+$0x30] =	vst v0  }
0x155: {  	s1 =	sshll.u32 s29, $0x4;
	[tilespmem:s26+$0x10] =	vst v4  }
0x156: {  	s30 =	simm.s32 $0x8100;
	s8 =	simm.s32 $0x2;
	s1 =	sadd.s32 s9, s1;
	[tilespmem:s26+$0x20] =	vst v1  }
0x157: {  	[hbm4b:s1+s7] =	stream.linear.scatter [tilespmem:s30], [sflag:$0x5], $0x4000, $0x38;
	[tilespmem:$0x16600] =	vst v63  }
0x158: {  	_ =	swait.ge [sflag:s8], $0x80  }
0x159: {  	s13 =	simm.s32 $0x4;
	s12 =	simm.s32 $0x4100;
	[sflag:s8] =	ssyncset.done $0x0  }
0x15a: {  	s11 =	simm.s32 $0x80;
	s10 =	rddreg [dreg:$0x7];
	[sflag:s8] =	ssyncadd.s32 $0xFFFFFF80  }
0x15b: {  	[tilespmem:s12], [sflag:$0x4] =	stream.indirect.gather [hbm4b:s10+s11], $0x80, s11, s11, $0xb8;
	[tilespmem:$0x16600] =	vst v63  }
0x15c: {  	_ =	swait.ge [sflag:s13], $0x4000  }
0x15d: {  	s1 =	rddreg [dreg:$0xc]  }
0x15e: {  	p1 =	por p0, !p1;
	s1 =	sadd.s32 @!p0 s4, s1  }
0x15f: {  	s8 =	simm.s32 @!p0 $0x0;
	[sflag:s13] =	ssyncset.done $0x0;
	s1 =	sshrl.u32 @!p0 s1, $0x3  }
0x160: {  	s10 =	simm.s32 @!p0 $0x80;
	[sflag:s13] =	ssyncadd.s32 $0xFFFFC000;
	s1 =	sadd.s32 @!p0 s5, s1  }
0x161: {  	[tilespmem:s10], [sflag:$0x2] =	stream.linear.gather @!p0 [hbm4b:s1+s8], $0x80, $0x38;
	[tilespmem:$0x16600] =	vst v63  }
0x162: {  	s1 =	simm.s32 @p1 $0x6  }
0x163: {  	_ =	swait.ge @p1 [sflag:s1], $0x4000  }
0x164: {  	[sflag:s1] =	ssyncset.done @p1 $0x0  }
0x165: {  	s15 =	simm.s32 $0x4200;
	[sflag:s1] =	ssyncadd.s32 @p1 $0xFFFFC000  }
0x166: {  	v60 =	vld [tilespmem:s15+$0x80]  }
0x167: {  	s14 =	rddreg [dreg:$0x6];
	v61 =	vld [tilespmem:s15+$0x90]  }
0x168: {  	s1 =	sadd.s32 $0xFFFFFFFC, s14;
	v62 =	vld [tilespmem:s15+$0xA0]  }
0x169: {  	s16 =	sadd.s32 $0x87, s1;
	v3 =	vld [tilespmem:s15+$0xB0]  }
0x16a: {  	v13 =	vld [tilespmem:s15+$0xFFFFFF00];
	s11 =	sshll.u32 s16, $0x9  }
0x16b: {  	v14 =	vld [tilespmem:s15+$0xFFFFFF10];
	p1 =	slt.u32 s16, $0xC8;
	s10 =	sadd.s32 $0xFFFE7000, s11  }
0x16c: {  	v35 =	vld [tilespmem:s15+$0x10];
	s10 =	smov.u32 @p1 s11  }
0x16d: {  	s17 =	sadd.s32 $0x84, s1;
	v37 =	vld [tilespmem:s15+$0x20];
	s10 =	sshra.s32 s10, $0x2  }
0x16e: {  	s12 =	sshll.u32 s17, $0x9;
	v4 =	vld [tilespmem:s10+$0x10100]  }
0x16f: {  	v7 =	vmov v8;
	s13 =	sadd.s32 $0xFFFE7000, s12;
	p1 =	slt.u32 s17, $0xC8;
	v8 =	vld [tilespmem:s10+$0x10110]  }
0x170: {  	s13 =	smov.u32 @p1 s12;
	v11 =	vld [tilespmem:s10+$0x10120]  }
0x171: {  	s18 =	sadd.s32 $0x85, s1;
	v12 =	vld [tilespmem:s10+$0x10130];
	s19 =	sshra.s32 s13, $0x2  }
0x172: {  	s12 =	sshll.u32 s18, $0x9;
	v15 =	vld [tilespmem:s19+$0x10100]  }
0x173: {  	p1 =	slt.u32 s18, $0xC8;
	s13 =	sadd.s32 $0xFFFE7000, s12;
	v16 =	vld [tilespmem:s19+$0x10110]  }
0x174: {  	s1 =	sadd.s32 $0x86, s1;
	s13 =	smov.u32 @p1 s12;
	v63 =	vld [tilespmem:s19+$0x10120]  }
0x175: {  	s11 =	sshll.u32 s1, $0x9;
	v33 =	vld [tilespmem:s19+$0x10130];
	s20 =	sshra.s32 s13, $0x2  }
0x176: {  	s12 =	sadd.s32 $0xFFFE7000, s11;
	p1 =	slt.u32 s1, $0xC8;
	v34 =	vld [tilespmem:s20+$0x10100];
	v10 =	vadd.f32 v4, v60;
	v9 =	vadd.f32 v8, v61  }
0x177: {  	s12 =	smov.u32 @p1 s11;
	v25 =	vld [tilespmem:s20+$0x10120];
	v8 =	vadd.f32 v11, v62;
	v12 =	vadd.f32 v12, v3  }
0x178: {  	s21 =	sshra.s32 s12, $0x2;
	v26 =	vld [tilespmem:s20+$0x10130];
	v3 =	vmul.f32 v10, v10;
	v4 =	vmul.f32 v9, v9  }
0x179: {  	v27 =	vld [tilespmem:s21+$0x10100];
	v17 =	vmul.f32 v8, v8;
	v18 =	vmul.f32 v12, v12  }
0x17a: {  	v28 =	vld [tilespmem:s21+$0x10110];
	v19 =	vadd.f32 v9, v10;
	v20 =	vadd.f32 v12, v8  }
0x17b: {  	v11 =	vld [tilespmem:s20+$0x10110];
	v3 =	vadd.f32 v4, v3;
	v4 =	vadd.f32 v18, v17  }
0x17c: {  	v23 =	vadd.f32 v16, v14;
	v14 =	vld [tilespmem:s15+$0xFFFFFFB0];
	v17 =	vadd.f32 v20, v19  }
0x17d: {  	v24 =	vadd.f32 v15, v13;
	v15 =	vld [tilespmem:s15+$0x0];
	v3 =	vadd.f32 v4, v3  }
0x17e: {  	v18 =	vld [tilespmem:s15+$0xFFFFFF80];
	(xrf2) =	vadd.scan.msk.f32 $0xffff, v17  }
0x17f: {  	v17 =	vld [tilespmem:s15+$0xFFFFFF30];
	(xrf2) =	vadd.scan.msk.f32 $0xffff, v3  }
0x180: {  	v3 =	vld [tilespmem:s15+$0xFFFFFF20]  }
0x181: {  	v19 =	vld [tilespmem:s15+$0xFFFFFF90]  }
0x182: {  	v13 =	vld [tilespmem:s15+$0xFFFFFFA0]  }
0x183: {  	v30 =	vadd.f32 v23, v24;
	v16 =	vadd.f32 v28, v35;
	v4 =	vld [tilespmem:s21+$0x10120]  }
0x184: {  	v20 =	vadd.f32 v26, v14;
	v15 =	vadd.f32 v27, v15  }
0x185: {  	v21 =	vadd.f32 v33, v17;
	v22 =	vadd.f32 v63, v3  }
0x186: {  	v29 =	vld [tilespmem:s21+$0x10130];
	v18 =	vadd.f32 v34, v18;
	v19 =	vadd.f32 v11, v19  }
0x187: {  	v17 =	vadd.f32 v25, v13;
	v3 =	vld [tilespmem:s15+$0x30];
	v39 =	vadd.f32 v21, v22  }
0x188: {  	v27 =	vmul.f32 v23, v23;
	v11 =	vadd.f32 v19, v18;
	v13 =	vadd.f32 v4, v37;
	v36, _, _ =	vpop (xrf2)  }
0x189: {  	s22 =	rddreg [dreg:$0x6];
	v25 =	vmul.f32 v24, v24;
	(v2sf) =	vpush v36, $0xF;
	v40 =	vadd.f32 v39, v30;
	v38, _, _ =	vpop (xrf2)  }
0x18a: {  	s23 =	sadd.s32 $0x0, s22;
	v28 =	vmul.f32 v20, v20;
	v26 =	vadd.f32 v20, v17;
	(v2sf) =	vpush v38, $0xF  }
0x18b: {  	s1 =	sadd.s32 $0x87, s23;
	v43 =	vmul.f32 v19, v19;
	v42 =	vmul.f32 v21, v21;
	v25 =	vadd.f32 v27, v25;
	(xrf2) =	vadd.scan.msk.f32 $0xffff, v40  }
0x18c: {  	s8 =	simm.s32 $0x4400;
	s10 =	sshll.u32 s1, $0x9;
	v41 =	vmul.f32 v22, v22;
	v4 =	vadd.f32 v26, v11;
	v14 =	vadd.f32 v29, v3  }
0x18d: {  	v45 =	vld [tilespmem:s8+$0xA0];
	p1 =	slt.u32 s1, $0xC8;
	s1 =	sadd.s32 $0xFFFE7000, s10;
	v27 =	vmul.f32 v17, v17;
	v11 =	vadd.f32 v16, v15;
	v3 =	vmul.f32 v18, v18  }
0x18e: {  	v31 =	vld [tilespmem:s8+$0xFFFFFF00];
	s1 =	smov.u32 @p1 s10;
	v1 =	vadd.f32 v42, v41;
	v26 =	vadd.f32 v14, v13;
	(xrf2) =	vadd.scan.msk.f32 $0xffff, v4;
	v4 =	vmul.f32 v15, v15  }
0x18f: {  	s1 =	sshra.s32 s1, $0x2;
	v61 =	vld [tilespmem:s8+$0xFFFFFF80];
	v0 =	vadd.f32 v43, v3;
	v3 =	vadd.f32 v28, v27;
	v28 =	vmul.f32 v13, v13  }
0x190: {  	v46 =	vld [tilespmem:s1+$0x10100];
	v29 =	vmul.f32 v14, v14;
	v44 =	vadd.f32 v26, v11;
	v26 =	vmul.f32 v16, v16  }
0x191: {  	v47 =	vld [tilespmem:s1+$0x10110];
	v1 =	vadd.f32 v1, v25  }
0x192: {  	v30 =	vld [tilespmem:s1+$0x10130];
	v25 =	vadd.f32 v29, v28;
	(xrf2) =	vadd.scan.msk.f32 $0xffff, v44;
	v4 =	vadd.f32 v26, v4  }
0x193: {  	s25 =	sadd.s32 $0x84, s23;
	v27 =	vld [tilespmem:s8+$0x90];
	v0 =	vadd.f32 v3, v0;
	(xrf2) =	vadd.scan.msk.f32 $0xffff, v1  }
0x194: {  	s14 =	sshll.u32 s25, $0x9;
	v11 =	vld [tilespmem:s8+$0x80];
	v4 =	vadd.f32 v25, v4  }
0x195: {  	s13 =	sadd.s32 $0xFFFE7000, s14;
	p1 =	slt.u32 s25, $0xC8;
	v3 =	vld [tilespmem:s8+$0xB0];
	(xrf2) =	vadd.scan.msk.f32 $0xffff, v0;
	v26, _, _ =	vpop (xrf2)  }
0x196: {  	s13 =	smov.u32 @p1 s14;
	v25 =	vld [tilespmem:s1+$0x10120];
	(v2sf) =	vpush v26, $0xF  }
0x197: {  	s7 =	smov.u32 s5;
	s5 =	sadd.s32 $0x85, s23;
	v62 =	vld [tilespmem:s8+$0xFFFFFF90];
	s13 =	sshra.s32 s13, $0x2  }
0x198: {  	s12 =	sshll.u32 s5, $0x9;
	p1 =	slt.u32 s5, $0xC8;
	v32 =	vld [tilespmem:s13+$0x10100];
	(xrf2) =	vadd.scan.msk.f32 $0xffff, v4;
	v4, _, _ =	vpop (xrf2);
	s24 =	spop (v2sf)  }
0x199: {  	v49 =	vld [tilespmem:s13+$0x10110];
	s15 =	sadd.s32 $0xFFFE7000, s12;
	(v2sf) =	vpush v4, $0xF;
	s10 =	smul.f32 $1.562500000e-02, s24;
	s26 =	spop (v2sf)  }
0x19a: {  	v50 =	vld [tilespmem:s13+$0x10120];
	s15 =	smov.u32 @p1 s12;
	v28 =	vadd.f32 v47, v27;
	v26 =	vadd.f32 v46, v11;
	s29 =	smul.f32 $1.562500000e-02, s26  }
0x19b: {  	v63 =	vld [tilespmem:s8+$0xFFFFFFA0];
	s12 =	sshra.s32 s15, $0x2;
	v11 =	vadd.f32 v30, v3;
	v29 =	vadd.f32 v25, v45;
	s30 =	smul.f32 s10, s10  }
0x19c: {  	v56 =	vmov v48;
	s11 =	sadd.s32 $0x86, s23;
	v37 =	vld [tilespmem:s12+$0x10120];
	v46 =	vmul.f32 v28, v28;
	v45 =	vadd.f32 v28, v26;
	v48, _, _ =	vpop (xrf2)  }
0x19d: {  	v25 =	vld [tilespmem:s13+$0x10130];
	s13 =	sshll.u32 s11, $0x9;
	v30 =	vmul.f32 v26, v26;
	v27 =	vadd.f32 v11, v29;
	(v2sf) =	vpush v48, $0xF;
	v3, _, _ =	vpop (xrf2);
	s1 =	ssub.f32 s29, s30  }
0x19e: {  	p1 =	slt.u32 s11, $0xC8;
	v35 =	vld [tilespmem:s12+$0x10130];
	v52 =	vmul.f32 v11, v11;
	s15 =	sadd.s32 $0xFFFE7000, s13;
	v51 =	vmul.f32 v29, v29;
	(v2sf) =	vpush v3, $0xF  }
0x19f: {  	v47 =	vld [tilespmem:s12+$0x10100];
	s15 =	smov.u32 @p1 s13;
	v2 =	vadd.f32 v27, v45;
	v27 =	vadd.f32 v46, v30;
	v3, _, _ =	vpop (xrf2);
	s1 =	sadd.f32 $9.999999740e-06, s1  }
0x1a0: {  	v4 =	vld [tilespmem:s8+$0xFFFFFF10];
	s13 =	sshra.s32 s15, $0x2;
	v30 =	vadd.f32 v52, v51;
	(v2sf) =	vpush v3, $0xF  }
0x1a1: {  	v38 =	vld [tilespmem:s13+$0x10100];
	s16 =	sshrl.u32 s1, $0x1;
	s1 =	smul.f32 $5.000000000e-01, s1  }
0x1a2: {  	v59 =	vld [tilespmem:s13+$0x10110];
	v54 =	vadd.f32 v30, v27;
	v53, _, _ =	vpop (xrf2);
	s14 =	ssub.s32 $0x5F3759DF, s16  }
0x1a3: {  	v40 =	vld [tilespmem:s13+$0x10120];
	(xrf2) =	vadd.scan.msk.f32 $0xffff, v2;
	(v2sf) =	vpush v53, $0xF;
	s17 =	smul.f32 s14, s1  }
0x1a4: {  	v3 =	vld [tilespmem:s12+$0x10110];
	(xrf2) =	vadd.scan.msk.f32 $0xffff, v54  }
0x1a5: {  	v27 =	vld [tilespmem:s8+$0xFFFFFF20];
	s11 =	smul.f32 s14, s17;
	s18 =	spop (v2sf)  }
0x1a6: {  	v30 =	vld [tilespmem:s8+$0xFFFFFF30];
	s12 =	smul.f32 $1.562500000e-02, s18  }
0x1a7: {  	v48 =	vld [tilespmem:s8+$0xFFFFFFB0];
	s11 =	ssub.f32 $1.500000000e+00, s11  }
0x1a8: {  	v31 =	vadd.f32 v32, v31;
	v33 =	vadd.f32 v49, v4;
	v49 =	vld [tilespmem:s8+$0x0];
	s21 =	spop (v2sf);
	s20 =	smul.f32 s12, s12  }
0x1a9: {  	v34 =	vadd.f32 v37, v63;
	v60 =	vld [tilespmem:s13+$0x10130];
	s16 =	smul.f32 $1.562500000e-02, s21  }
0x1aa: {  	v32 =	vadd.f32 v47, v61;
	v4 =	vld [tilespmem:s8+$0x10];
	v51 =	vadd.f32 v33, v31;
	s19 =	smul.f32 s14, s11  }
0x1ab: {  	v54 =	vld [tilespmem:s8+$0x30];
	v27 =	vadd.f32 v50, v27;
	v30 =	vadd.f32 v25, v30;
	s23 =	smul.f32 s16, s16  }
0x1ac: {  	v35 =	vadd.f32 v35, v48;
	v25 =	vld [tilespmem:s8+$0x20];
	v36 =	vadd.f32 v3, v62;
	s22 =	spop (v2sf);
	s1 =	smul.f32 s19, s1  }
0x1ad: {  	v37 =	vadd.f32 v38, v49;
	v53 =	vadd.f32 v30, v27;
	v50, _, _ =	vpop (xrf2);
	s11 =	smul.f32 $1.562500000e-02, s22;
	s24 =	spop (v2sf)  }
0x1ae: {  	v42 =	vadd.f32 v35, v34;
	v52, _, _ =	vpop (xrf2);
	(v2sf) =	vpush v50, $0xF;
	s17 =	smul.f32 $1.562500000e-02, s24  }
0x1af: {  	v48 =	vmul.f32 v34, v34;
	v1 =	vadd.f32 v53, v51;
	s25 =	spop (v2sf);
	(v2sf) =	vpush v52, $0xF;
	s1 =	smul.f32 s1, s19  }
0x1b0: {  	v38 =	vadd.f32 v59, v4;
	v59 =	vmul.f32 v31, v31;
	v3 =	vadd.f32 v36, v32;
	s18 =	smul.f32 $1.562500000e-02, s25;
	s29 =	ssub.f32 s17, s20  }
0x1b1: {  	v49 =	vmul.f32 v35, v35;
	v39 =	vadd.f32 v60, v54;
	v41 =	vadd.f32 v40, v25;
	(xrf2) =	vadd.scan.msk.f32 $0xffff, v1;
	s26 =	smul.f32 s11, s11;
	s1 =	ssub.f32 $1.500000000e+00, s1  }
0x1b2: {  	v60 =	vmul.f32 v33, v33;
	v4 =	vmul.f32 v27, v27;
	v3 =	vadd.f32 v42, v3;
	s30 =	ssub.f32 s18, s23;
	s5 =	spop (v2sf)  }
0x1b3: {  	v61 =	vmul.f32 v30, v30;
	v25 =	vadd.f32 v38, v37;
	v62 =	vadd.f32 v39, v41;
	s17 =	sadd.f32 $9.999999740e-06, s29;
	s15 =	smul.f32 $1.562500000e-02, s5  }
0x1b4: {  	v63 =	vmul.f32 v36, v36;
	v0 =	vmov s12;
	v1 =	vadd.f32 v60, v59;
	(xrf2) =	vadd.scan.msk.f32 $0xffff, v3;
	s8 =	smul.f32 s1, s19;
	s14 =	sadd.f32 $9.999999740e-06, s30  }
0x1b5: {  	v40 =	vsub.f32 v24, v0;
	v24 =	vmul.f32 v32, v32;
	v25 =	vadd.f32 v62, v25;
	s18 =	sshrl.u32 s17, $0x1;
	s20 =	smul.f32 $5.000000000e-01, s17;
	s21 =	ssub.f32 s15, s26  }
0x1b6: {  	v51 =	vmul.f32 v41, v41;
	v43 =	vsub.f32 v23, v0;
	v50 =	vadd.f32 v61, v4;
	s28 =	ssub.s32 $0x5F3759DF, s18;
	s22 =	sshrl.u32 s14, $0x1;
	s17 =	smul.f32 $5.000000000e-01, s14  }
0x1b7: {  	v3 =	vadd.f32 v63, v24;
	v4 =	vadd.f32 v49, v48;
	v24 =	vmul.f32 v37, v37;
	(xrf2) =	vadd.scan.msk.f32 $0xffff, v25;
	s23 =	smul.f32 s28, s20;
	s25 =	ssub.s32 $0x5F3759DF, s22;
	s24 =	sadd.f32 $9.999999740e-06, s21  }
0x1b8: {  	v44 =	vsub.f32 v22, v0;
	v52 =	vmul.f32 v39, v39;
	v25 =	vmul.f32 v38, v38;
	s26 =	smul.f32 s25, s17  }
0x1b9: {  	v1 =	vadd.f32 v50, v1;
	v3 =	vadd.f32 v4, v3;
	s30 =	sshrl.u32 s24, $0x1;
	s18 =	smul.f32 $5.000000000e-01, s24  }
0x1ba: {  	v2 =	vadd.f32 v52, v51;
	v4 =	vadd.f32 v25, v24;
	v24 =	vmov s10;
	s1 =	smul.f32 s28, s23;
	s29 =	ssub.s32 $0x5F3759DF, s30  }
0x1bb: {  	v45 =	vsub.f32 v21, v0;
	v54 =	vsub.f32 v12, v24;
	v12 =	vmov s16;
	v53, _, _ =	vpop (xrf2);
	s12 =	smul.f32 s29, s18  }
0x1bc: {  	(xrf2) =	vadd.scan.msk.f32 $0xffff, v1;
	s5 =	rddreg [dreg:$0x6];
	v59 =	vadd.f32 v2, v4;
	s15 =	simm.s32 $0x4600;
	(v2sf) =	vpush v53, $0xF;
	s13 =	smul.f32 s25, s26  }
0x1bd: {  	v48 =	vsub.f32 v18, v12;
	v47 =	vsub.f32 v19, v12;
	(xrf2) =	vadd.scan.msk.f32 $0xffff, v3;
	v3 =	vld [tilespmem:s15+$0x80];
	s22 =	sadd.s32 $0x4, s5;
	s12 =	smul.f32 s29, s12;
	s19 =	spop (v2sf)  }
0x1be: {  	v49 =	vsub.f32 v17, v12;
	v46 =	vsub.f32 v20, v12;
	v60 =	vld [tilespmem:s15+$0x90];
	v12, _, _ =	vpop (xrf2);
	s23 =	sadd.s32 $0x87, s22;
	s14 =	smul.f32 $1.562500000e-02, s19;
	s21 =	spop (v2sf)  }
0x1bf: {  	v10 =	vsub.f32 v10, v24;
	v17 =	vmov s11;
	v4 =	vld [tilespmem:s15+$0xA0];
	(v2sf) =	vpush v12, $0xF;
	s10 =	smul.f32 $1.562500000e-02, s21;
	s21 =	sshll.u32 s23, $0x9  }
0x1c0: {  	v9 =	vsub.f32 v9, v24;
	v50 =	vsub.f32 v15, v17;
	(xrf2) =	vadd.scan.msk.f32 $0xffff, v59;
	v61 =	vld [tilespmem:s15+$0xB0];
	p1 =	slt.u32 s23, $0xC8;
	s1 =	ssub.f32 $1.500000000e+00, s1;
	s19 =	sadd.s32 $0xFFFE7000, s21  }
0x1c1: {  	v21 =	vsub.f32 v16, v17;
	v22 =	vsub.f32 v14, v17;
	v14 =	vld [tilespmem:s15+$0xFFFFFF00];
	v15, _, _ =	vpop (xrf2);
	s12 =	ssub.f32 $1.500000000e+00, s12;
	s24 =	smul.f32 s14, s14;
	s19 =	smov.u32 @p1 s21  }
0x1c2: {  	v23 =	vsub.f32 v13, v17;
	v1 =	vmul.f32 s8, v54;
	v17 =	vld [tilespmem:s15+$0xFFFFFF10];
	s30 =	sadd.s32 $0x84, s22;
	s16 =	smul.f32 s28, s1;
	(v2sf) =	vpush v15, $0xF;
	s19 =	sshra.s32 s19, $0x2  }
0x1c3: {  	v10 =	vmul.f32 s8, v10;
	s11 =	smul.f32 s29, s12;
	s12 =	sshll.u32 s30, $0x9;
	s26 =	ssub.f32 s10, s24;
	v12 =	vld [tilespmem:s19+$0x10100]  }
0x1c4: {  	v62 =	vmul.f32 s8, v9;
	v1 =	vmul.f32 v1, v7;
	s13 =	ssub.f32 $1.500000000e+00, s13;
	p1 =	slt.u32 s30, $0xC8;
	s21 =	sadd.s32 $0xFFFE7000, s12;
	v16 =	vld [tilespmem:s19+$0x10110]  }
0x1c5: {  	s20 =	smul.f32 s16, s20;
	v15 =	vld [tilespmem:s19+$0x10120];
	s21 =	smov.u32 @p1 s12;
	s1 =	sadd.f32 $9.999999740e-06, s26  }
0x1c6: {  	v51 =	vadd.f32 v1, v6;
	v1 =	vmul.f32 v62, v55;
	s10 =	smul.f32 s25, s13;
	v13 =	vld [tilespmem:s19+$0x10130];
	s30 =	sshra.s32 s21, $0x2  }
0x1c7: {  	v54 =	vsub.f32 v8, v24;
	v9 =	vmul.f32 v10, v56;
	v10, _, _ =	vpop (xrf2);
	s26 =	sadd.s32 $0x85, s22;
	v18 =	vld [tilespmem:s30+$0x10100];
	s5 =	sshrl.u32 s1, $0x1;
	s25 =	smul.f32 $5.000000000e-01, s1  }
0x1c8: {  	v53 =	vadd.f32 v1, v57;
	(v2sf) =	vpush v10, $0xF;
	v8, _, _ =	vpop (xrf2);
	v19 =	vld [tilespmem:s30+$0x10110];
	s13 =	ssub.s32 $0x5F3759DF, s5;
	s5 =	smul.f32 s11, s18;
	s18 =	sshll.u32 s26, $0x9  }
0x1c9: {  	(v2sf) =	vpush v8, $0xF;
	s24 =	smul.f32 s10, s17;
	p1 =	slt.u32 s26, $0xC8;
	v1 =	vld [tilespmem:s30+$0x10120];
	s23 =	sadd.s32 $0xFFFE7000, s18;
	v5 =	vadd.f32 v12, v3  }
0x1ca: {  	v63, _, _ =	vpop (xrf2);
	s22 =	sadd.s32 $0x86, s22;
	v2 =	vld [tilespmem:s30+$0x10130];
	s29 =	smul.f32 s13, s25;
	v10 =	vadd.f32 v16, v60;
	v8 =	vadd.f32 v15, v4;
	s23 =	smov.u32 @p1 s18  }
0x1cb: {  	v13 =	vadd.f32 v13, v61;
	s18 =	smul.f32 s24, s10;
	s24 =	spop (v2sf);
	(v2sf) =	vpush v63, $0xF;
	v63 =	vld [tilespmem:s15+$0xFFFFFFA0];
	s23 =	sshra.s32 s23, $0x2  }
0x1cc: {  	v52 =	vadd.f32 v9, v58;
	s20 =	smul.f32 s20, s16;
	s1 =	sshll.u32 s22, $0x9;
	v3 =	vadd.f32 v10, v5;
	v0 =	vld [tilespmem:s23+$0x10100]  }
0x1cd: {  	s21 =	sadd.s32 $0xFFFE7000, s1;
	p1 =	slt.u32 s22, $0xC8;
	s17 =	smul.f32 s13, s29;
	v4 =	vmul.f32 v5, v5;
	v12 =	vmul.f32 v10, v10;
	v15 =	vadd.f32 v13, v8;
	v55 =	vld [tilespmem:s23+$0x10110]  }
0x1ce: {  	v16 =	vmul.f32 v8, v8;
	v20 =	vmul.f32 v13, v13;
	s21 =	smov.u32 @p1 s1;
	s26 =	smul.f32 $1.562500000e-02, s24;
	v25 =	vadd.f32 v18, v14;
	s22 =	spop (v2sf);
	v56 =	vld [tilespmem:s23+$0x10120]  }
0x1cf: {  	v24 =	vadd.f32 v19, v17;
	s29 =	sshra.s32 s21, $0x2;
	v57 =	vld [tilespmem:s23+$0x10130];
	s1 =	smul.f32 $1.562500000e-02, s22;
	s12 =	ssub.f32 $1.500000000e+00, s17;
	v4 =	vadd.f32 v12, v4  }
0x1d0: {  	s17 =	smul.f32 s5, s11;
	v12 =	vadd.f32 v20, v16;
	v3 =	vadd.f32 v15, v3;
	v14 =	vmov s26;
	v58 =	vld [tilespmem:s29+$0x10100]  }
0x1d1: {  	v15 =	vmul.f32 v25, v25;
	v59 =	vadd.f32 v24, v25;
	v60 =	vld [tilespmem:s29+$0x10110];
	s23 =	spop (v2sf);
	v17 =	vsub.f32 v31, v14;
	s12 =	smul.f32 s13, s12  }
0x1d2: {  	v16 =	vmul.f32 v24, v24;
	v62 =	vld [tilespmem:s29+$0x10130];
	v19 =	vsub.f32 v33, v14;
	s24 =	smul.f32 $1.562500000e-02, s23;
	v4 =	vadd.f32 v12, v4  }
0x1d3: {  	v31 =	vmov s14;
	v20 =	vsub.f32 v27, v14;
	v27 =	vld [tilespmem:s15+$0xFFFFFF20];
	v18 =	vsub.f32 v30, v14;
	(xrf2) =	vadd.scan.msk.f32 $0xffff, v3;
	s30 =	smul.f32 s12, s25  }
0x1d4: {  	s5 =	smul.f32 s26, s26;
	v30 =	vld [tilespmem:s15+$0xFFFFFF30];
	v61 =	vadd.f32 v16, v15;
	v33 =	vsub.f32 v11, v31;
	v42 =	vmov s24;
	(xrf2) =	vadd.scan.msk.f32 $0xffff, v4  }
0x1d5: {  	s26 =	ssub.f32 $1.500000000e+00, s20;
	v3 =	vld [tilespmem:s29+$0x10120];
	v4 =	vmov s1;
	v11 =	vsub.f32 v37, v42;
	v38 =	vsub.f32 v38, v42;
	s19 =	smul.f32 s30, s12  }
0x1d6: {  	v15 =	vsub.f32 v32, v4;
	v16 =	vsub.f32 v34, v4;
	v34 =	vld [tilespmem:s15+$0xFFFFFF80]  }
0x1d7: {  	s16 =	smul.f32 s26, s16;
	v14 =	vsub.f32 v36, v4;
	v12 =	vsub.f32 v35, v4;
	v4 =	vld [tilespmem:s15+$0xFFFFFF90];
	s19 =	ssub.f32 $1.500000000e+00, s19  }
0x1d8: {  	s1 =	smul.f32 s1, s1;
	v37 =	vsub.f32 v41, v42;
	v41 =	vsub.f32 v26, v31;
	v35 =	vld [tilespmem:s15+$0x30]  }
0x1d9: {  	s25 =	spop (v2sf);
	v36 =	vsub.f32 v39, v42;
	v26 =	vadd.f32 v2, v30;
	v2 =	vld [tilespmem:s15+$0x0];
	s14 =	smul.f32 s19, s12  }
0x1da: {  	s29 =	spop (v2sf);
	v42 =	vsub.f32 v28, v31;
	v27 =	vadd.f32 v1, v27;
	v1 =	vld [tilespmem:s15+$0xFFFFFFB0];
	s12 =	smul.f32 $1.562500000e-02, s25  }
0x1db: {  	s26 =	ssub.f32 $1.500000000e+00, s17;
	v39 =	vsub.f32 v29, v31;
	s20 =	smul.f32 $1.562500000e-02, s29;
	v28 =	vadd.f32 v0, v34;
	v0 =	vld [tilespmem:s15+$0x10]  }
0x1dc: {  	s13 =	smul.f32 s24, s24;
	v30 =	vadd.f32 v56, v63;
	v34 =	vadd.f32 v26, v27;
	s12 =	ssub.f32 s12, s5  }
0x1dd: {  	v54 =	vmul.f32 s8, v54;
	s28 =	smul.f32 s26, s11;
	s1 =	ssub.f32 s20, s1;
	v29 =	vadd.f32 v55, v4;
	v4 =	vld [tilespmem:s15+$0x20];
	v35 =	vadd.f32 v62, v35;
	v31, _, _ =	vpop (xrf2)  }
0x1de: {  	v56 =	vmul.f32 v27, v27;
	v32 =	vadd.f32 v58, v2;
	s30 =	spop (v2sf);
	(v2sf) =	vpush v31, $0xF;
	s12 =	sadd.f32 $9.999999740e-06, s12;
	v63, _, _ =	vpop (xrf2)  }
0x1df: {  	s18 =	ssub.f32 $1.500000000e+00, s18;
	v55 =	vmul.f32 s14, v33;
	s8 =	smul.f32 $1.562500000e-02, s30;
	v31 =	vadd.f32 v57, v1;
	(v2sf) =	vpush v63, $0xF  }
0x1e0: {  	s1 =	sadd.f32 $9.999999740e-06, s1;
	v1 =	vmul.f32 v26, v26;
	v63 =	vadd.f32 v29, v28;
	v33 =	vadd.f32 v60, v0;
	s22 =	smul.f32 $5.000000000e-01, s12;
	s12 =	sshrl.u32 s12, $0x1  }
0x1e1: {  	s25 =	smul.f32 s18, s10;
	v0 =	vadd.f32 v34, v59;
	v60 =	vadd.f32 v31, v30;
	s5 =	ssub.s32 $0x5F3759DF, s12  }
0x1e2: {  	v2 =	vmul.f32 v28, v28;
	s8 =	ssub.f32 s8, s13;
	s13 =	sshrl.u32 s1, $0x1;
	v34 =	vadd.f32 v3, v4;
	v1 =	vadd.f32 v1, v56;
	s18 =	smul.f32 s5, s22  }
0x1e3: {  	s20 =	smul.f32 $5.000000000e-01, s1;
	v56 =	vmul.f32 v32, v32;
	s12 =	ssub.s32 $0x5F3759DF, s13;
	v60 =	vadd.f32 v60, v63;
	v63 =	vmul.f32 v33, v33  }
0x1e4: {  	v58 =	vmul.f32 v29, v29;
	v55 =	vmul.f32 v55, v7;
	s8 =	sadd.f32 $9.999999740e-06, s8;
	s1 =	smul.f32 s5, s18;
	s18 =	simm.s32 $0xC200  }
0x1e5: {  	s19 =	smul.f32 s12, s20;
	v63 =	vadd.f32 v63, v56;
	v56 =	vmul.f32 v35, v35;
	[tilespmem:s18+$0xB0] =	vst v51;
	v51 =	vmul.f32 v34, v34  }
0x1e6: {  	v41 =	vmul.f32 s14, v41;
	v62 =	vadd.f32 v55, v6;
	s21 =	sshrl.u32 s8, $0x1;
	s31 =	smul.f32 $5.000000000e-01, s8;
	[tilespmem:s18+$0x80] =	vst v52  }
0x1e7: {  	v9 =	vmovc v7;
	s17 =	simm.s32 $0xC400;
	v2 =	vadd.f32 v58, v2;
	v58 =	vmul.f32 s16, v45;
	s23 =	ssub.s32 $0x5F3759DF, s21;
	s13 =	smul.f32 s12, s19;
	v7 =	vld [tilespmem:$0x1FFA0];
	[tilespmem:s18+$0x90] =	vst v53;
	v51 =	vadd.f32 v56, v51  }
0x1e8: {  	v3 =	vmul.f32 v30, v30;
	v4 =	vmul.f32 v31, v31;
	(xrf2) =	vadd.scan.msk.f32 $0xffff, v0;
	s24 =	smul.f32 s23, s31;
	[tilespmem:s17+$0xB0] =	vst v62  }
0x1e9: {  	v45 =	vmul.f32 s28, v50;
	v57 =	vadd.f32 v33, v32;
	(xrf2) =	vadd.scan.msk.f32 $0xffff, v60;
	s1 =	ssub.f32 $1.500000000e+00, s1;
	v60 =	vadd.f32 v51, v63;
	v63 =	vld [tilespmem:$0x1FFB0]  }
0x1ea: {  	v59 =	vmul.f32 s25, v48;
	v3 =	vadd.f32 v4, v3;
	v4 =	vadd.f32 v35, v34;
	s29 =	ssub.f32 $1.500000000e+00, s13;
	s19 =	smul.f32 s23, s24  }
0x1eb: {  	v55 =	vmul.f32 s16, v40;
	v40 =	vmul.f32 s25, v46;
	s10 =	smul.f32 s5, s1  }
0x1ec: {  	v4 =	vadd.f32 v4, v57;
	v57 =	vmul.f32 s16, v44;
	s11 =	smul.f32 s12, s29;
	s30 =	ssub.f32 $1.500000000e+00, s19;
	v52 =	vmul.f32 v54, v7  }
0x1ed: {  	v44 =	vmul.f32 s25, v49;
	v62 =	vadd.f32 v1, v61;
	v61 =	vadd.f32 v3, v2;
	s22 =	smul.f32 s10, s22  }
0x1ee: {  	s4 =	sor.u32 $0x80, s4;
	(xrf2) =	vadd.scan.msk.f32 $0xffff, v4;
	v56 =	vmul.f32 s16, v43;
	v43 =	vmul.f32 s25, v47;
	s16 =	simm.s32 $0x8;
	s8 =	smul.f32 s23, s30;
	v47 =	vadd.f32 v52, v63  }
.LBB2_8:
0x1ef: {  	_ = 	snop  }
0x1f0: {  	v51 =	vld [tilespmem:$0x1FFC0]  }
0x1f1: {  	v49 =	vld [tilespmem:$0x1FFD0];
	(xrf2) =	vadd.scan.msk.f32 $0xffff, v62  }
0x1f2: {  	s1 =	rddreg [dreg:$0x6];
	v0 =	vmul.f32 s28, v21;
	s15 =	sadd.s32 $0x200, s15;
	v52 =	vld [tilespmem:$0x1FFF0]  }
0x1f3: {  	v1 =	vmul.f32 s28, v23;
	v2 =	vmul.f32 s14, v42;
	v53 =	vld [tilespmem:$0x1FFE0];
	s25 =	smul.f32 s8, s31;
	s1 =	sadd.s32 s16, s1;
	s12 =	spop (v2sf)  }
0x1f4: {  	v3 =	vmul.f32 s28, v22;
	[tilespmem:s18+$0xA0] =	vst v47;
	v57 =	vmul.f32 v57, v7;
	s13 =	sadd.s32 $0x87, s1;
	v4, _, _ =	vpop (xrf2);
	s31 =	smul.f32 $1.562500000e-02, s12;
	s24 =	spop (v2sf)  }
0x1f5: {  	v21 =	vmovc v38;
	v44 =	vmul.f32 v44, v7;
	v46 =	vld [tilespmem:s15+$0x80];
	p2 =	slt.u32 s13, $0xC8;
	s13 =	sshll.u32 s13, $0x9;
	v47 =	vmul.f32 v55, v51;
	(xrf2) =	vadd.scan.msk.f32 $0xffff, v61;
	(v2sf) =	vpush v4, $0xF;
	s12 =	smul.f32 $1.562500000e-02, s24  }
0x1f6: {  	v23 =	vmovc v37;
	v22 =	vmovc v36;
	v36 =	vmul.f32 s14, v39;
	v48 =	vld [tilespmem:s15+$0x90];
	v38 =	vadd.f32 v57, v63;
	s19 =	sadd.s32 $0xFFFE7000, s13;
	v4 =	vmul.f32 v56, v49;
	s26 =	smul.f32 s31, s31  }
0x1f7: {  	v58 =	vmul.f32 v58, v9;
	v50 =	vld [tilespmem:s15+$0xB0];
	v44 =	vadd.f32 v44, v63;
	s19 =	smov.u32 @p2 s13;
	v37 =	vadd.f32 v47, v52;
	v62, _, _ =	vpop (xrf2)  }
0x1f8: {  	v1 =	vmul.f32 v1, v7;
	s13 =	sshra.s32 s19, $0x2;
	v47 =	vld [tilespmem:s15+$0xA0];
	(v2sf) =	vpush v62, $0xF;
	v4 =	vadd.f32 v4, v53;
	s12 =	ssub.f32 s12, s26  }
0x1f9: {  	v61 =	vmul.f32 v59, v51;
	v0 =	vmul.f32 v0, v49;
	[tilespmem:s18+$0xFFFFFF20] =	vst v38;
	v39 =	vld [tilespmem:s13+$0x10100];
	(xrf2) =	vadd.scan.msk.f32 $0xffff, v60;
	v57, _, _ =	vpop (xrf2)  }
0x1fa: {  	s21 =	sadd.s32 $0x84, s1;
	v43 =	vmul.f32 v43, v49;
	v59 =	vld [tilespmem:s13+$0x10120];
	(v2sf) =	vpush v57, $0xF;
	[tilespmem:s18+$0xFFFFFF10] =	vst v4;
	v4 =	vadd.f32 v58, v6;
	s12 =	sadd.f32 $9.999999740e-06, s12  }
0x1fb: {  	p2 =	slt.u32 s21, $0xC8;
	s19 =	sshll.u32 s21, $0x9;
	v0 =	vadd.f32 v0, v53;
	[tilespmem:s18+$0xFFFFFF00] =	vst v37;
	v56 =	vmul.f32 v40, v9;
	v40 =	vmul.f32 v36, v7;
	v36 =	vld [tilespmem:s13+$0x10110];
	v60, _, _ =	vpop (xrf2)  }
0x1fc: {  	v3 =	vmul.f32 v3, v9;
	s28 =	sadd.s32 $0xFFFE7000, s19;
	(v2sf) =	vpush v60, $0xF;
	[tilespmem:s18+$0xFFFFFF30] =	vst v4;
	v4 =	vadd.f32 v61, v52;
	v61 =	vld [tilespmem:s13+$0x10130];
	s29 =	sshrl.u32 s12, $0x1;
	s14 =	smul.f32 $5.000000000e-01, s12  }
0x1fd: {  	s20 =	smul.f32 s11, s20;
	v41 =	vmul.f32 v41, v51;
	[tilespmem:s18+$0xFFFFFFA0] =	vst v44;
	s28 =	smov.u32 @p2 s19;
	v58 =	vadd.f32 v43, v53;
	v62 =	vld [tilespmem:s15+$0xFFFFFF00];
	s5 =	ssub.s32 $0x5F3759DF, s29  }
0x1fe: {  	s23 =	sadd.s32 $0x85, s1;
	v1 =	vadd.f32 v1, v63;
	v3 =	vadd.f32 v3, v6;
	v45 =	vmul.f32 v45, v51;
	s21 =	sshra.s32 s28, $0x2;
	[tilespmem:s18+$0x10] =	vst v0;
	v38 =	vld [tilespmem:s15+$0xFFFFFF10];
	s29 =	smul.f32 s5, s14  }
0x1ff: {  	s20 =	smul.f32 s20, s11;
	v41 =	vadd.f32 v41, v52;
	s24 =	sshll.u32 s23, $0x9;
	v37 =	vadd.f32 v56, v6;
	[tilespmem:s18+$0xFFFFFF90] =	vst v58;
	v56, _, _ =	vpop (xrf2);
	v57 =	vld [tilespmem:s21+$0x10100]  }
0x200: {  	p3 =	slt.u32 s23, $0xC8;
	v2 =	vmul.f32 v2, v49;
	(v2sf) =	vpush v56, $0xF;
	v58 =	vld [tilespmem:s21+$0x10110];
	s12 =	sadd.s32 $0xFFFE7000, s24;
	[tilespmem:s18+$0xFFFFFF80] =	vst v4;
	v4 =	vadd.f32 v45, v52;
	s13 =	smul.f32 s5, s29  }
0x201: {  	s1 =	sadd.s32 $0x86, s1;
	s23 =	smul.f32 s22, s10;
	v39 =	vadd.f32 v39, v46;
	[tilespmem:s18+$0xFFFFFFB0] =	vst v37;
	v49 =	vadd.f32 v36, v48;
	v0 =	vld [tilespmem:s21+$0x10130];
	s12 =	smov.u32 @p3 s24  }
0x202: {  	v2 =	vadd.f32 v2, v53;
	v44 =	vadd.f32 v59, v47;
	s26 =	sshll.u32 s1, $0x9;
	s12 =	sshra.s32 s12, $0x2;
	[tilespmem:s18+$0x0] =	vst v4;
	v4 =	vld [tilespmem:s21+$0x10120];
	s13 =	ssub.f32 $1.500000000e+00, s13  }
0x203: {  	[tilespmem:s18+$0x20] =	vst v1;
	p2 =	slt.u32 s1, $0xC8;
	s30 =	sadd.s32 $0xFFFE7000, s26;
	v46 =	vmul.f32 v39, v39;
	v45 =	vadd.f32 v49, v39;
	v59, _, _ =	vpop (xrf2);
	s24 =	smul.f32 s25, s8;
	v36 =	vadd.f32 v61, v50;
	v1 =	vld [tilespmem:s12+$0x10100]  }
0x204: {  	[tilespmem:s18+$0x30] =	vst v3;
	s30 =	smov.u32 @p2 s26;
	v61 =	vmul.f32 v49, v49;
	v55 =	vld [tilespmem:s12+$0x10110];
	v3 =	vadd.f32 v57, v62;
	s26 =	spop (v2sf);
	(v2sf) =	vpush v59, $0xF;
	s25 =	smul.f32 s5, s13  }
0x205: {  	v56 =	vld [tilespmem:s12+$0x10120];
	v62 =	vmul.f32 v44, v44;
	v37 =	vadd.f32 v58, v38;
	v63 =	vmul.f32 v36, v36;
	s5 =	smul.f32 $1.562500000e-02, s26  }
0x206: {  	s29 =	sshra.s32 s30, $0x2;
	v57 =	vld [tilespmem:s12+$0x10130];
	v60 =	vadd.f32 v36, v44;
	v52 =	vadd.f32 v61, v46;
	v61 =	vmov s31;
	s13 =	smul.f32 s25, s14  }
0x207: {  	[tilespmem:s17+$0x90] =	vst v2;
	v2 =	vld [tilespmem:s29+$0x10120];
	v51 =	vmul.f32 v3, v3;
	v58 =	vadd.f32 v37, v3;
	v43 =	vadd.f32 v63, v62;
	s30 =	smul.f32 s5, s5;
	s14 =	spop (v2sf)  }
0x208: {  	s28 =	ssub.f32 $1.500000000e+00, s23;
	[tilespmem:s17+$0x80] =	vst v41;
	v53 =	vmul.f32 v37, v37;
	v50 =	vadd.f32 v60, v45;
	v59 =	vld [tilespmem:s29+$0x10100];
	v41 =	vmov s5;
	s5 =	smul.f32 $1.562500000e-02, s14  }
0x209: {  	v42 =	vsub.f32 v10, v61;
	v60 =	vld [tilespmem:s29+$0x10110];
	v54 =	vadd.f32 v43, v52;
	s23 =	spop (v2sf);
	s21 =	smul.f32 s13, s25  }
0x20a: {  	s22 =	ssub.f32 $1.500000000e+00, s24;
	v62 =	vld [tilespmem:s29+$0x10130];
	v47 =	vadd.f32 v53, v51;
	(xrf2) =	vadd.scan.msk.f32 $0xffff, v50;
	v45 =	vsub.f32 v25, v41;
	s13 =	smul.f32 $1.562500000e-02, s23  }
0x20b: {  	v63 =	vld [tilespmem:s15+$0xFFFFFF20];
	v43 =	vsub.f32 v24, v41;
	v25 =	vmovc v3;
	(xrf2) =	vadd.scan.msk.f32 $0xffff, v54;
	v50 =	vsub.f32 v27, v41;
	s26 =	spop (v2sf);
	v3 =	vmov s5;
	s24 =	smul.f32 s5, s5  }
0x20c: {  	v27 =	vsub.f32 v13, v61;
	s5 =	smul.f32 $1.562500000e-02, s26;
	s12 =	ssub.f32 $1.500000000e+00, s21;
	v54 =	vsub.f32 v28, v3;
	v28 =	vld [tilespmem:s15+$0xFFFFFF30]  }
0x20d: {  	v51 =	vsub.f32 v26, v41;
	v52 =	vsub.f32 v29, v3;
	v29 =	vld [tilespmem:s15+$0xFFFFFF80];
	s29 =	smul.f32 s13, s13  }
0x20e: {  	v26 =	vmov s13;
	v46 =	vsub.f32 v30, v3;
	v48 =	vsub.f32 v31, v3;
	v3 =	vld [tilespmem:s15+$0xFFFFFF90];
	s14 =	smul.f32 s12, s25  }
0x20f: {  	v13 =	vmov v36;
	v41 =	vsub.f32 v5, v61;
	s21 =	spop (v2sf);
	s5 =	ssub.f32 s5, s30;
	v36 =	vsub.f32 v35, v26;
	v35 =	vld [tilespmem:s15+$0x30]  }
0x210: {  	s20 =	ssub.f32 $1.500000000e+00, s20;
	v31 =	vld [tilespmem:s15+$0xFFFFFFA0];
	v53 =	vsub.f32 v32, v26;
	v38 =	vsub.f32 v33, v26;
	s13 =	smul.f32 $1.562500000e-02, s21;
	v27 =	vmul.f32 s14, v27  }
0x211: {  	v24 =	vmov v37;
	v37 =	vsub.f32 v34, v26;
	s5 =	sadd.f32 $9.999999740e-06, s5;
	v26 =	vadd.f32 v0, v28;
	v0 =	vld [tilespmem:s15+$0x0]  }
0x212: {  	v5 =	vmovc v39;
	v39 =	vsub.f32 v8, v61;
	s25 =	smul.f32 s28, s10;
	s1 =	ssub.f32 s13, s24;
	v28 =	vadd.f32 v1, v29;
	v1 =	vld [tilespmem:s15+$0x10];
	v30 =	vmul.f32 v27, v9  }
0x213: {  	v29 =	vadd.f32 v55, v3;
	v3 =	vld [tilespmem:s15+$0x20];
	s30 =	smul.f32 $5.000000000e-01, s5;
	v27 =	vadd.f32 v4, v63;
	s23 =	spop (v2sf)  }
0x214: {  	s18 =	smov.u32 s17;
	v41 =	vmul.f32 s14, v41;
	v33, _, _ =	vpop (xrf2);
	s24 =	sshrl.u32 s5, $0x1;
	v4 =	vld [tilespmem:s15+$0xFFFFFFB0];
	v35 =	vadd.f32 v62, v35;
	v30 =	vadd.f32 v30, v6;
	s10 =	smul.f32 $1.562500000e-02, s23  }
0x215: {  	s28 =	smul.f32 s22, s8;
	s1 =	sadd.f32 $9.999999740e-06, s1;
	s26 =	ssub.s32 $0x5F3759DF, s24;
	v61 =	vmul.f32 v26, v26;
	v8, _, _ =	vpop (xrf2);
	v34 =	vadd.f32 v26, v27;
	(v2sf) =	vpush v33, $0xF  }
0x216: {  	s17 =	sadd.s32 $0x200, s17;
	v10 =	vmovc v49;
	v49 =	vmul.f32 v28, v28;
	s13 =	smul.f32 s26, s30;
	(v2sf) =	vpush v8, $0xF;
	v8 =	vmovc v44;
	v44 =	vadd.f32 v29, v28;
	s10 =	ssub.f32 s10, s29  }
0x217: {  	v63 =	vmul.f32 v27, v27;
	[tilespmem:s17+$0xB0] =	vst v30;
	v30 =	vadd.f32 v56, v31;
	v32 =	vadd.f32 v59, v0;
	s29 =	smul.f32 s20, s11  }
0x218: {  	v62 =	vmul.f32 v35, v35;
	v33 =	vadd.f32 v60, v1;
	v1 =	vadd.f32 v34, v58;
	s20 =	smul.f32 $5.000000000e-01, s1;
	s10 =	sadd.f32 $9.999999740e-06, s10  }
0x219: {  	s12 =	sshrl.u32 s1, $0x1;
	v34 =	vadd.f32 v2, v3;
	v31 =	vadd.f32 v57, v4;
	v4 =	vmul.f32 v29, v29;
	s1 =	smul.f32 s26, s13  }
0x21a: {  	v58 =	vadd.f32 v61, v63;
	s11 =	ssub.s32 $0x5F3759DF, s12;
	v55 =	vmul.f32 v30, v30;
	v2 =	vmul.f32 v32, v32;
	s21 =	sshrl.u32 s10, $0x1;
	s31 =	smul.f32 $5.000000000e-01, s10  }
0x21b: {  	v3 =	vadd.f32 v33, v32;
	v57 =	vmul.f32 v33, v33;
	v61 =	vmul.f32 v34, v34;
	s19 =	smul.f32 s11, s20;
	s13 =	ssub.s32 $0x5F3759DF, s21  }
0x21c: {  	v63 =	vld [tilespmem:$0x1FFB0];
	(xrf2) =	vadd.scan.msk.f32 $0xffff, v1;
	v0 =	vadd.f32 v31, v30;
	v56 =	vmul.f32 v31, v31;
	v1 =	vadd.f32 v4, v49;
	s10 =	smul.f32 s13, s31  }
0x21d: {  	s16 =	sadd.s32 $0x4, s16;
	v4 =	vadd.f32 v35, v34;
	v2 =	vadd.f32 v57, v2;
	v57 =	vmul.f32 s25, v20;
	s12 =	smul.f32 s11, s19  }
0x21e: {  	p1 =	slt.u32 s16, $0x7C;
	s1 =	ssub.f32 $1.500000000e+00, s1;
	v0 =	vadd.f32 v0, v44;
	v59 =	vadd.f32 v56, v55;
	v55 =	vmul.f32 s25, v17;
	s23 =	smul.f32 s13, s10  }
.Ltmp5:
0x21f: {  	v20 =	vmovc v50;
	v3 =	vadd.f32 v4, v3;
	v4 =	vadd.f32 v62, v61;
	v56 =	vmul.f32 s25, v19;
	s24 =	ssub.f32 $1.500000000e+00, s12;
	(pc) =	sbr.rel @p1 .LBB2_8-.Ltmp5, $4  }
0x220: {  	v17 =	vmovc v45;
	v62 =	vadd.f32 v58, v47;
	v19 =	vmovc v43;
	v58 =	vmul.f32 s25, v18;
	v43 =	vmul.f32 s29, v14;
	s10 =	smul.f32 s26, s1  }
0x221: {  	v18 =	vmovc v51;
	v44 =	vmul.f32 s29, v16;
	v47 =	vadd.f32 v40, v63;
	v14 =	vmovc v52;
	v40 =	vmul.f32 s29, v12;
	s11 =	smul.f32 s11, s24;
	s26 =	ssub.f32 $1.500000000e+00, s23  }
0x222: {  	v45 =	vmul.f32 s28, v11;
	v16 =	vmovc v46;
	v12 =	vmov v48;
	v11 =	vmov v53;
	(xrf2) =	vadd.scan.msk.f32 $0xffff, v0;
	s22 =	smul.f32 s10, s30  }
0x223: {  	v61 =	vadd.f32 v59, v1;
	v60 =	vadd.f32 v4, v2;
	v59 =	vmul.f32 s29, v15;
	v15 =	vmovc v54;
	(xrf2) =	vadd.scan.msk.f32 $0xffff, v3;
	s8 =	smul.f32 s13, s26  }
0x224: {  	_ = 	snop  }
0x225: {  	(xrf2) =	vadd.scan.msk.f32 $0xffff, v62;
	s1 =	spop (v2sf)  }
0x226: {  	s25 =	smul.f32 $1.562500000e-02, s1;
	s23 =	spop (v2sf)  }
0x227: {  	s1 =	smul.f32 $1.562500000e-02, s23;
	v0, _, _ =	vpop (xrf2);
	(xrf2) =	vadd.scan.msk.f32 $0xffff, v61  }
0x228: {  	s5 =	smul.f32 s25, s25  }
0x229: {  	(v2sf) =	vpush v0, $0xF;
	(xrf2) =	vadd.scan.msk.f32 $0xffff, v60  }
0x22a: {  	s1 =	ssub.f32 s1, s5;
	_ =	sdelay $0x1  }
0x22b: {  	s1 =	sadd.f32 $9.999999740e-06, s1;
	v49, _, _ =	vpop (xrf2)  }
0x22c: {  	(v2sf) =	vpush v49, $0xF  }
0x22d: {  	v50, _, _ =	vpop (xrf2);
	s24 =	sshrl.u32 s1, $0x1;
	s1 =	smul.f32 $5.000000000e-01, s1  }
0x22e: {  	s13 =	smul.f32 s11, s20;
	(v2sf) =	vpush v50, $0xF;
	v51, _, _ =	vpop (xrf2);
	s5 =	ssub.s32 $0x5F3759DF, s24  }
0x22f: {  	(v2sf) =	vpush v51, $0xF;
	s12 =	smul.f32 s5, s1  }
0x230: {  	s19 =	smul.f32 s22, s10;
	v52, _, _ =	vpop (xrf2)  }
0x231: {  	s12 =	smul.f32 s5, s12;
	(v2sf) =	vpush v52, $0xF  }
0x232: {  	s15 =	smul.f32 s8, s31;
	v53, _, _ =	vpop (xrf2)  }
0x233: {  	s22 =	smul.f32 s13, s11;
	(v2sf) =	vpush v53, $0xF;
	s12 =	ssub.f32 $1.500000000e+00, s12  }
0x234: {  	s23 =	ssub.f32 $1.500000000e+00, s19;
	s16 =	smul.f32 s15, s8  }
0x235: {  	s5 =	smul.f32 s5, s12  }
0x236: {  	s20 =	smul.f32 s23, s10  }
0x237: {  	s26 =	spop (v2sf);
	s1 =	smul.f32 s5, s1  }
0x238: {  	v54 =	vmul.f32 s28, v21;
	v48 =	vld [tilespmem:$0x1FFC0];
	s12 =	smul.f32 $1.562500000e-02, s26  }
0x239: {  	v1 =	vmul.f32 s28, v23;
	v2 =	vmul.f32 s14, v42;
	v46 =	vld [tilespmem:$0x1FFD0];
	s1 =	smul.f32 s1, s5  }
0x23a: {  	v3 =	vmul.f32 s28, v22;
	v44 =	vmul.f32 v44, v7;
	s29 =	smul.f32 s12, s12  }
0x23b: {  	v40 =	vmul.f32 v40, v9;
	v39 =	vmul.f32 s14, v39;
	s1 =	ssub.f32 $1.500000000e+00, s1;
	s30 =	spop (v2sf)  }
0x23c: {  	v61 =	vmul.f32 v58, v9;
	v1 =	vmul.f32 v1, v7;
	s21 =	smul.f32 $1.562500000e-02, s30  }
0x23d: {  	v3 =	vmul.f32 v3, v9;
	v60 =	vmul.f32 v57, v7;
	s31 =	spop (v2sf);
	s15 =	smul.f32 s1, s5  }
0x23e: {  	v40 =	vadd.f32 v40, v6;
	v4 =	vmul.f32 v55, v48;
	v56 =	vmul.f32 v56, v46;
	v49 =	vld [tilespmem:$0x1FFE0];
	s5 =	spop (v2sf);
	s24 =	smul.f32 $1.562500000e-02, s31  }
0x23f: {  	v23 =	vadd.f32 v61, v6;
	v62 =	vmul.f32 v59, v48;
	v43 =	vmul.f32 v43, v46;
	s31 =	ssub.f32 $1.500000000e+00, s22;
	s1 =	smul.f32 $1.562500000e-02, s5  }
0x240: {  	v45 =	vmul.f32 v45, v48;
	v22 =	vadd.f32 v60, v63;
	v0 =	vmul.f32 v54, v46;
	v50 =	vld [tilespmem:$0x1FFF0];
	s26 =	smul.f32 s21, s21;
	s28 =	spop (v2sf)  }
0x241: {  	v1 =	vadd.f32 v1, v63;
	v41 =	vmul.f32 v41, v48;
	v59 =	vmul.f32 v39, v7;
	[tilespmem:s18+$0xA0] =	vst v47;
	s1 =	ssub.f32 s1, s29;
	s5 =	smul.f32 $1.562500000e-02, s28  }
0x242: {  	v3 =	vadd.f32 v3, v6;
	v2 =	vmul.f32 v2, v46;
	v17 =	vmul.f32 s20, v17;
	[tilespmem:s18+$0xFFFFFF20] =	vst v22;
	s29 =	smul.f32 s24, s24;
	s30 =	spop (v2sf)  }
0x243: {  	[tilespmem:s18+$0xFFFFFFB0] =	vst v40;
	v40 =	vadd.f32 v59, v63;
	v21 =	vadd.f32 v56, v49;
	v52 =	vmov s12;
	s12 =	smul.f32 $1.562500000e-02, s30;
	s1 =	sadd.f32 $9.999999740e-06, s1  }
0x244: {  	v19 =	vmul.f32 s20, v19;
	[tilespmem:s18+$0xFFFFFF30] =	vst v23;
	v43 =	vadd.f32 v43, v49;
	v0 =	vadd.f32 v0, v49;
	s5 =	ssub.f32 s5, s26  }
0x245: {  	v39 =	vmul.f32 s20, v18;
	[tilespmem:s18+$0x20] =	vst v1;
	v2 =	vadd.f32 v2, v49;
	v4 =	vadd.f32 v4, v50;
	s10 =	ssub.f32 s12, s29  }
0x246: {  	[tilespmem:s18+$0x30] =	vst v3;
	v53 =	vmov s25;
	v42 =	vadd.f32 v62, v50;
	v47 =	vadd.f32 v45, v50;
	s22 =	smul.f32 $5.000000000e-01, s1;
	s5 =	sadd.f32 $9.999999740e-06, s5;
	s1 =	sshrl.u32 s1, $0x1  }
0x247: {  	v17 =	vmul.f32 v17, v48;
	[tilespmem:s17+$0xA0] =	vst v40;
	v51 =	vadd.f32 v41, v50;
	v55 =	vsub.f32 v13, v53;
	s13 =	smul.f32 s31, s11;
	s1 =	ssub.s32 $0x5F3759DF, s1  }
0x248: {  	v19 =	vmul.f32 v19, v46;
	v62 =	vsub.f32 v5, v53;
	v10 =	vsub.f32 v10, v53;
	[tilespmem:s18+$0xFFFFFF10] =	vst v21;
	s10 =	sadd.f32 $9.999999740e-06, s10;
	s14 =	smul.f32 $5.000000000e-01, s5  }
0x249: {  	v17 =	vadd.f32 v17, v50;
	[tilespmem:s17+$0x90] =	vst v2;
	v2 =	vmul.f32 v39, v9;
	v54 =	vmov s21;
	s19 =	sshrl.u32 s5, $0x1;
	s21 =	smul.f32 s1, s22  }
0x24a: {  	v20 =	vmul.f32 s20, v20;
	v53 =	vsub.f32 v8, v53;
	[tilespmem:s18+$0xFFFFFF00] =	vst v4;
	v4 =	vadd.f32 v44, v63;
	s23 =	ssub.s32 $0x5F3759DF, s19;
	s26 =	smul.f32 $5.000000000e-01, s10  }
0x24b: {  	[tilespmem:s18+$0xFFFFFF90] =	vst v43;
	v44 =	vadd.f32 v19, v49;
	v2 =	vadd.f32 v2, v6;
	v56 =	vmov s24;
	s25 =	sshrl.u32 s10, $0x1;
	s24 =	smul.f32 s23, s14  }
0x24c: {  	[tilespmem:s18+$0x10] =	vst v0;
	v43 =	vmul.f32 v20, v7;
	v25 =	vsub.f32 v25, v52;
	v24 =	vsub.f32 v24, v52;
	s5 =	smul.f32 s1, s21;
	s28 =	ssub.s32 $0x5F3759DF, s25  }
0x24d: {  	[tilespmem:s18+$0xFFFFFFA0] =	vst v4;
	v27 =	vsub.f32 v27, v52;
	v4 =	vsub.f32 v26, v52;
	v58 =	vmul.f32 s15, v55;
	s21 =	smul.f32 s28, s26  }
0x24e: {  	[tilespmem:s17+$0xFFFFFF30] =	vst v2;
	v10 =	vmul.f32 s15, v10;
	v2 =	vmul.f32 s15, v53;
	v23 =	vsub.f32 v28, v54;
	s5 =	ssub.f32 $1.500000000e+00, s5;
	s19 =	smul.f32 s23, s24  }
0x24f: {  	s16 =	ssub.f32 $1.500000000e+00, s16;
	[tilespmem:s18+$0xFFFFFF80] =	vst v42;
	v57 =	vsub.f32 v29, v54;
	v13 =	vsub.f32 v30, v54;
	v42 =	vmul.f32 s13, v15;
	s29 =	smul.f32 s28, s21  }
0x250: {  	[tilespmem:s18+$0x0] =	vst v47;
	v31 =	vsub.f32 v31, v54;
	v60 =	vsub.f32 v32, v56;
	v14 =	vmul.f32 s13, v14;
	s1 =	smul.f32 s1, s5  }
0x251: {  	[tilespmem:s17+$0x80] =	vst v51;
	s31 =	smul.f32 s16, s8;
	v61 =	vsub.f32 v33, v56;
	v16 =	vmul.f32 s13, v16;
	v3 =	vmul.f32 v42, v48;
	s30 =	ssub.f32 $1.500000000e+00, s19  }
0x252: {  	[tilespmem:s17+$0xFFFFFF00] =	vst v17;
	v15 =	vadd.f32 v43, v63;
	v12 =	vmul.f32 s13, v12;
	v14 =	vmul.f32 v14, v46;
	s21 =	ssub.f32 $1.500000000e+00, s29;
	s19 =	smul.f32 s1, s22  }
0x253: {  	[tilespmem:s17+$0xFFFFFF10] =	vst v44;
	v11 =	vmul.f32 s31, v11;
	v16 =	vmul.f32 v16, v7;
	v3 =	vadd.f32 v3, v50;
	s5 =	smul.f32 s23, s30  }
0x254: {  	v45 =	vmul.f32 s31, v38;
	[tilespmem:s17+$0xFFFFFF20] =	vst v15;
	v12 =	vmul.f32 v12, v9;
	v47 =	vadd.f32 v14, v49;
	s12 =	smul.f32 s28, s21  }
0x255: {  	v51 =	vmul.f32 s31, v37;
	v11 =	vmul.f32 v11, v48;
	v16 =	vadd.f32 v16, v63;
	[tilespmem:s17+$0xFFFFFF80] =	vst v3;
	s22 =	smul.f32 s19, s1  }
0x256: {  	v29 =	vmul.f32 v58, v9;
	v15 =	vmul.f32 v45, v46;
	v12 =	vadd.f32 v12, v6;
	[tilespmem:s17+$0xFFFFFF90] =	vst v47;
	s14 =	smul.f32 s5, s14  }
0x257: {  	v33 =	vsub.f32 v34, v56;
	v8 =	vmul.f32 v51, v7;
	v11 =	vadd.f32 v11, v50;
	[tilespmem:s17+$0xFFFFFFA0] =	vst v16;
	s25 =	smul.f32 s12, s26;
	s23 =	ssub.f32 $1.500000000e+00, s22  }
0x258: {  	v5 =	vsub.f32 v35, v56;
	v35 =	vmul.f32 s15, v62;
	v54 =	vadd.f32 v15, v49;
	[tilespmem:s17+$0xFFFFFFB0] =	vst v12;
	s24 =	smul.f32 s14, s5  }
0x259: {  	v10 =	vmul.f32 v10, v46;
	v52 =	vmul.f32 s31, v36;
	v8 =	vadd.f32 v8, v63;
	[tilespmem:s17+$0x0] =	vst v11;
	s1 =	smul.f32 s23, s1  }
0x25a: {  	v2 =	vmul.f32 v2, v7;
	v34 =	vadd.f32 v29, v6;
	v55 =	vmul.f32 v35, v48;
	[tilespmem:s17+$0x10] =	vst v54;
	s8 =	smul.f32 s25, s12;
	s26 =	ssub.f32 $1.500000000e+00, s24  }
0x25b: {  	v10 =	vadd.f32 v10, v49;
	s10 =	sadd.s32 $0x200, s17;
	v3 =	vmul.f32 v52, v9;
	[tilespmem:s17+$0x20] =	vst v8;
	v11 =	vmul.f32 s1, v25  }
0x25c: {  	v2 =	vadd.f32 v2, v63;
	[tilespmem:s10+$0xB0] =	vst v34;
	s28 =	ssub.f32 $1.500000000e+00, s8;
	v8 =	vmul.f32 s1, v24;
	s5 =	smul.f32 s26, s5;
	v56 =	vmul.f32 s1, v27  }
0x25d: {  	[tilespmem:s10+$0x90] =	vst v10;
	v3 =	vadd.f32 v3, v6;
	v4 =	vmul.f32 s1, v4;
	v11 =	vmul.f32 v11, v48  }
0x25e: {  	v12 =	vadd.f32 v55, v50;
	[tilespmem:s10+$0xA0] =	vst v2;
	s1 =	smul.f32 s28, s12;
	v8 =	vmul.f32 v8, v46;
	v10 =	vmul.f32 s5, v23  }
0x25f: {  	[tilespmem:s17+$0x30] =	vst v3;
	v3 =	vmul.f32 v56, v7;
	v57 =	vmul.f32 s5, v57;
	v11 =	vadd.f32 v11, v50  }
0x260: {  	[tilespmem:s10+$0x80] =	vst v12;
	v58 =	vmul.f32 v4, v9;
	v0 =	vmul.f32 s1, v61;
	v4 =	vadd.f32 v8, v49  }
0x261: {  	v1 =	vmul.f32 s1, v33;
	v10 =	vmul.f32 v10, v48;
	v3 =	vadd.f32 v3, v63;
	[tilespmem:s10+$0xFFFFFF00] =	vst v11  }
0x262: {  	v61 =	vmul.f32 s1, v5;
	v12 =	vmul.f32 v57, v46;
	v2 =	vadd.f32 v58, v6;
	[tilespmem:s10+$0xFFFFFF10] =	vst v4  }
0x263: {  	v8 =	vmul.f32 s5, v13;
	v0 =	vmul.f32 v0, v46;
	[tilespmem:s10+$0xFFFFFF20] =	vst v3;
	v59 =	vadd.f32 v10, v50  }
0x264: {  	v1 =	vmul.f32 v1, v7;
	v4 =	vmul.f32 s1, v60;
	[tilespmem:s10+$0xFFFFFF30] =	vst v2;
	v60 =	vadd.f32 v12, v49  }
0x265: {  	v11 =	vmul.f32 s5, v31;
	v8 =	vmul.f32 v8, v7;
	v0 =	vadd.f32 v0, v49;
	[tilespmem:s10+$0xFFFFFF80] =	vst v59  }
0x266: {  	v3 =	vmul.f32 v61, v9;
	v1 =	vadd.f32 v1, v63;
	[tilespmem:s10+$0xFFFFFF90] =	vst v60  }
0x267: {  	v10 =	vmul.f32 v11, v9;
	v8 =	vadd.f32 v8, v63;
	[tilespmem:s10+$0x10] =	vst v0  }
0x268: {  	v4 =	vmul.f32 v4, v48;
	v63 =	vadd.f32 v3, v6;
	[tilespmem:s10+$0x20] =	vst v1  }
0x269: {  	v5 =	vadd.f32 v10, v6;
	[tilespmem:s10+$0xFFFFFFA0] =	vst v8  }
.Ltmp6:
0x26a: {  	s29 =	sadd.s32 s6, s4;
	v62 =	vadd.f32 v4, v50;
	[tilespmem:s10+$0x30] =	vst v63;
	(pc) =	sbr.rel @p0 .LBB2_11-.Ltmp6, $4  }
0x26b: {  	s1 =	sshll.u32 s29, $0x4;
	[tilespmem:s10+$0xFFFFFFB0] =	vst v5  }
0x26c: {  	s31 =	simm.s32 $0xC100;
	s30 =	simm.s32 $0x0;
	s1 =	sadd.s32 s9, s1;
	[tilespmem:s10+$0x0] =	vst v62  }
0x26d: {  	[hbm4b:s1+s30] =	stream.linear.scatter [tilespmem:s31], [sflag:$0x6], $0x4000, $0x38;
	[tilespmem:$0x16600] =	vst v63  }
0x26e: {  	s1 =	simm.s32 $0x0  }
0x26f: {  	s4 =	simm.s32 $0x1  }
.Ltmp7:
0x270: {  	_ =	swait.ge [sflag:s4], $0x80;
	(pc) =	sbr.rel .LBB2_2-.Ltmp7, $4  }
0x271: {  	s5 =	simm.s32 $0x100;
	s8 =	simm.s32 $0x80;
	[sflag:s4] =	ssyncset.done $0x0  }
0x272: {  	s3 =	sadd.s32 $0x1, s3;
	s31 =	rddreg [dreg:$0x7];
	[sflag:s4] =	ssyncadd.s32 $0xFFFFFF80  }
0x273: {  	[tilespmem:s5], [sflag:$0x3] =	stream.indirect.gather [hbm4b:s31+s8], $0x80, s1, s8, $0xb8;
	[tilespmem:$0x16600] =	vst v63  }
0x274: {  	v5 =	vmovc v48;
	v1 =	vmovc v46;
	v0 =	vmov v9;
	v4 =	vmov v50;
	v2 =	vmov v49;
	s0 =	sadd.s32 $0x100, s0;
	s2 =	sadd.s32 $0x100, s2;
	s5 =	smov.u32 s7  }
.LBB2_12:
0x275: {  	_ =	sfence.sel $0x180000  }
0x276: {  	[bflag:$0x0] =	sbarrier.arrive $0xFFFF  }
0x277: {  	_ =	strace $0x90000047  }
0x278: {  	s0 =	stileid.u32;
	[bflag:$0x2] =	sbarrier.arrive $0xFFFF  }
0x279: {  	p0 =	sne.s32 s0, $0x0;
	s0 =	rddreg [dreg:$0x4]  }
0x27a: {  	s0 =	sadd.s32 @!p0 $0x100000, s0  }
0x27b: {  	[sflag:s0] =	ssyncadd.tile.s32 @!p0 $0x1;
	_ =	shalt  }
.Lfunc_end2:
_tile_overlayer_lowered:
.L_overlay_start_2:
0x27c: {  	(tag) =	ssettag $0x2  }
0x27d: {  	s0 =	rddreg [dreg:$0x0];
	s2 =	stileid.u32  }
0x27e: {  	s1 =	rddreg [dreg:$0x1];
	p0 =	sne.s32 s2, $0x0  }
0x27f: {  	s3 =	rddreg [dreg:$0x2];
	[bflag:$0x3] =	sbarrier.arrive $0xFFFF;
	s2 =	simm.s32 @!p0 $0x1C07  }
0x280: {  	[timem:s3], [sflag:s2] =	dma.local @!p0 [hbm:s0], s1  }
0x281: {  	s0 =	simm.s32 @!p0 $0x7  }
0x282: {  	_ =	swait.ge @!p0 [sflag:s0], s1  }
0x283: {  	s1 =	ssub.s32 @!p0 $0x0, s1;
	[sflag:s0] =	ssyncset.done @!p0 $0x0  }
0x284: {  	[sflag:s0] =	ssyncadd.s32 @!p0 s1  }
0x285: {  	[bflag:$0x3] =	sbarrier.arrive $0xFFFF  }
0x286: {  	_ =	shalt  }

// kernel: sparse-core-data-format-call.cloned.1.call-start
scs
called_computation_lowered:
.L_overlay_start_0:
0x0: {  	s2 =	sld [smem:$0x3FD9]  }
0x1: {  	s3 =	sld [smem:$0x3FFE];
	_ =	sdelay $0x1  }
0x2: {  	s1 =	srdreg.scid  }
0x3: {  	s0 =	sand.u32 $0x1, s1  }
0x4: {  	s18 =	sshll.u32 s0, $0xA;
	s2 =	sadd.s32 s3, s2  }
0x5: {  	s2 =	sadd.s32 s2, s18  }
0x6: {  	[smem:$0x3FC3] =	sst s2  }
0x7: {  	_ = 	snop  }
0x8: {  	s2 =	sld [smem:$0x3FD0];
	(tm) =	ssettm $0x1  }
0x9: {  	s19 =	sld [smem:$0x3FFB];
	_ =	sdelay $0x3  }
0xa: {  	_ =	strace s19  }
0xb: {  	s3 =	sld [smem:$0x3FFC];
	_ =	sdelay $0x3  }
0xc: {  	_ =	strace s3  }
0xd: {  	s3 =	sld [smem:$0x3FFD];
	_ =	sdelay $0x3  }
0xe: {  	_ =	strace s3  }
0xf: {  	_ =	strace $0x8FFFFFFF  }
0x10: {  	s20 =	sld [smem:$0x3FDB];
	_ =	sdelay $0x1  }
0x11: {  	s4 =	simm.s32 $_scs_section_size  }
0x12: {  	s5 =	simm.s32 $_size__tile_overlayer_lowered;
	s6 =	simm.s32 $_tile_overlayer_lowered  }
0x13: {  	s23 =	simm.s32 $0x1BFF;
	s22 =	sshll.u32 s6, $0x1;
	s3 =	sadd.s32 s4, s20  }
0x14: {  	s7 =	simm.s32 $0x0;
	s21 =	sshll.u32 s5, $0x1;
	s5 =	sadd.s32 s22, s3  }
0x15: {  	[timem:s7], [sflag:s23] =	dma.local [hbm:s5], s21  }
0x16: {  	_ =	swait.ge [sflag:s23], s21  }
0x17: {  	s4 =	ssub.s32 $0x0, s21;
	[sflag:s23] =	ssyncset.done $0x0  }
0x18: {  	[sflag:s23] =	ssyncadd.s32 s4;
	_ =	sdelay $0x1  }
0x19: {  	s24 =	simm.s32 $0x1B8B  }
0x1a: {  	_ =	swait.ge [sflag:s24], $0x1  }
0x1b: {  	[sflag:s24] =	ssyncset.done $0x0  }
0x1c: {  	s26 =	simm.s32 $0x1B8E;
	s25 =	sld [smem:$0x3FFE];
	[sflag:s24] =	ssyncadd.s32 $0xFFFFFFFF  }
0x1d: {  	s27 =	simm.s32 $execute0_lowered;
	[smem:$0x3FD2] =	sst s26  }
0x1e: {  	s5 =	sshll.u32 s27, $0x1;
	_ =	strace $0x80000049;
	[dreg:$0x1] =	wrdreg $0xFFFFFFFF  }
0x1f: {  	s28 =	simm.s32 $_size_execute0_lowered;
	s3 =	sadd.s32 s3, s5;
	[dreg:$0x0] =	wrdreg $0x0  }
0x20: {  	s5 =	sshll.u32 s28, $0x1;
	[dreg:$0x2] =	wrdreg s3  }
0x21: {  	[dreg:$0x3] =	wrdreg s5  }
0x22: {  	[dreg:$0x4] =	wrdreg $0xC0  }
0x23: {  	_ =	task [dreg:s7], $0x5FFFF  }
0x24: {  	[dreg:$0x1] =	wrdreg $0xFFFFFFFF  }
0x25: {  	[dreg:$0x0] =	wrdreg $0x60  }
0x26: {  	[dreg:$0x2] =	wrdreg s25  }
0x27: {  	[dreg:$0x3] =	wrdreg s2  }
0x28: {  	[dreg:$0x4] =	wrdreg $0x9  }
0x29: {  	_ =	task.clear_ibuf [dreg:s7], $0x5FFFF;
	_ =	strace $0x90000049  }
0x2a: {  	s29 =	simm.s32 $0x9;
	_ =	strace $0x8000004B  }
0x2b: {  	_ =	swait.ge [sflag:s29], $0x1  }
0x2c: {  	[sflag:s29] =	ssyncadd.s32 $0xFFFFFFFF  }
0x2d: {  	_ =	strace $0x9000004B  }
0x2e: {  	_ =	sfence  }
0x2f: {  	s30 =	sld [smem:$0x0];
	_ =	sdelay $0x2  }
0x30: {  	s31 =	sshll.u32 s1, $0xD;
	s1 =	sshrl.u32 s1, $0x2  }
0x31: {  	s3 =	sand.u32 $0x4000, s31;
	s1 =	sadd.s32 s1, s30  }
0x32: {  	s0 =	sor.u32 s3, s0;
	s1 =	sshll.u32 s1, $0x11  }
0x33: {  	s0 =	sor.u32 s1, s0  }
0x34: {  	s0 =	sadd.s32 $0x8F2B, s0  }
0x35: {  	[sflag:s0] =	ssyncadd.remote.s32 $0x1  }
0x36: {  	_ =	sfence.sel $0xFFFF  }
0x37: {  	[dreg:$0x0] =	wrdreg $0xFFFFFFFF;
	(pc) =	sbr.abs _section_cstart, $3  }
0x38: {  	[dreg:$0x1] =	wrdreg $0xFFFFFFFF  }
0x39: {  	_ =	task.clear_ibuf [dreg:s7], $0x2FFFF;
	_ =	strace $0x9FFFFFFF  }
0x3a: {  	(tm) =	ssettm $0x7FFFFFFF  }
0x3b: {  	_ =	shalt  }
tec
execute0_lowered:
.L_overlay_start_1:
0x0: {  	(tag) =	ssettag $0x1  }
0x1: {  	s0 =	stileid.u32;
	s6 =	rddreg [dreg:$0x0]  }
0x2: {  	s2 =	rddreg [dreg:$0x1];
	s5 =	srdreg.scid  }
0x3: {  	s31 =	simm.s32 $0x2;
	s13 =	simm.s32 $0x0;
	s1 =	sshll.u32 s0, $0x7  }
0x4: {  	s14 =	simm.s32 $0x0;
	s12 =	simm.s32 $0x0;
	s3 =	sand.u32 $0x380, s1  }
0x5: {  	s5 =	sshll.u32 s5, $0x4;
	s6 =	sadd.s32 $0xC00, s6;
	s4 =	ssub.s32 $0x400, s3  }
0x6: {  	s1 =	rddreg [dreg:$0x2];
	_ =	strace $0x8000004A;
	s7 =	sand.u32 $0x380, s4  }
0x7: {  	s5 =	sand.u32 $0x10, s5;
	p0 =	sne.s32 s7, $0x0;
	s7 =	simm.s32 $0x1  }
.Ltmp0:
0x8: {  	s8 =	sshrl.u32 s4, $0xA;
	s7 =	simm.s32 @!p0 $0x0;
	(pc) =	sbr.rel .LBB1_1-.Ltmp0, $4  }
0x9: {  	s9 =	sor.u32 s0, s5;
	s4 =	simm.s32 $0x1;
	s30 =	sadd.s32 s7, s8  }
0xa: {  	s11 =	smov.u32 s3;
	[sflag:s4] =	ssyncpa.u1 $0x0;
	s5 =	smul.u32 $0x32, s30  }
0xb: {  	[sflag:s31] =	ssyncpa.u1 $0x0;
	p0 =	por $0x0, $0x0;
	s7 =	sshrl.u32 s9, $0x3  }
0xc: {  	s9 =	simm.s32 $0x2000;
	s10 =	smov.u32 s7;
	s8 =	sor.u32 $0x1, s5  }
.LBB1_4:
0xd: {  	s17 =	sand.u32 $0x1F80, s14;
	s13 =	sshll.u32 s13, $0xD  }
0xe: {  	[tilespmem:s16+$0x810 ss:$0x81] =	vst.msk $0xffff, v2;
	s18 =	sshrl.u32 s14, $0x3;
	s31 =	sand.u32 $0x7, s14;
	s17 =	sadd.s32 s2, s17  }
0xf: {  	[tilespmem:s16+$0x1020 ss:$0x81] =	vst.msk $0xffff, v0;
	s18 =	sand.u32 $0xF, s18;
	s14 =	sshll.u32 s31, $0x12;
	s13 =	sadd.s32 s13, s17  }
0x10: {  	[tilespmem:s16+$0x0 ss:$0x81] =	vst.msk $0xffff, v1;
	s14 =	sor.u32 $0x400, s14;
	s13 =	sadd.s32 s18, s13  }
0x11: {  	[hbm4b:s13+s14] =	stream.strided.scatter [tilespmem:s15], [sflag:$0x2], $0x2000, s9, s14, $0x20;
	[tilespmem:$0x8080] =	vst v63  }
.LBB1_5:
0x12: {  	s15 =	sadd.s32 $0x4, s10  }
0x13: {  	s13 =	sadd.s32 $0x400, s11;
	s17 =	smov.u32 s11;
	p2 =	sgt.s32 s15, $0xC7  }
0x14: {  	s17 =	smov.u32 @p2 s13  }
0x15: {  	s15 =	smov.u32 @p2 s7;
	p2 =	sgt.s32 s17, $0x3FF  }
0x16: {  	s17 =	smov.u32 @p2 s3;
	p2 =	sne.s32 s12, s8  }
.Ltmp1:
0x17: {  	p1 =	slt.u32 s12, $0x2;
	(pc) =	sbr.rel @!p2 .LBB1_6-.Ltmp1, $4  }
0x18: {  	s16 =	simm.s32 @!p1 $0x2  }
0x19: {  	s14 =	smov.u32 s11;
	p0 =	por !p0, !p0;
	_ =	swait.ge @!p1 [sflag:s16], $0x2000  }
0x1a: {  	s13 =	smov.u32 s10;
	[sflag:s16] =	ssyncset.done @!p1 $0x0;
	s10 =	smov.u32 s15  }
0x1b: {  	s12 =	sadd.s32 $0x1, s12;
	[sflag:s16] =	ssyncadd.s32 @!p1 $0xFFFFE000;
	s11 =	smov.u32 s17  }
.LBB1_1:
0x1c: {  	p1 =	sge.u32 s12, s5  }
0x1d: {  	s15 =	sand.u32 @!p1 $0x1FFFFFF, s10  }
0x1e: {  	s16 =	smulhi.u32 @!p1 $0x147AE15, s15;
	_ =	sdelay $0x1  }
0x1f: {  	s16 =	smul.u32 @!p1 $0xC8, s16  }
0x20: {  	s17 =	sxor.u32 @!p1 $0xFFFFFFFF, s12;
	s18 =	smul.u32 @!p1 $0xC80, s11  }
0x21: {  	s31 =	sadd.s32 $0xFFFFFFFF, s12;
	s17 =	sshll.u32 @!p1 s17, $0xD;
	s15 =	ssub.s32 @!p1 s15, s16  }
0x22: {  	s16 =	sand.u32 @!p1 $0x2000, s17;
	s17 =	sadd.s32 @!p1 s6, s18;
	s15 =	sshll.u32 @!p1 s15, $0x4  }
0x23: {  	s18 =	simm.s32 @!p1 $0x6400;
	s15 =	sadd.s32 @!p1 s15, s17;
	s17 =	simm.s32 @!p1 $0x40  }
0x24: {  	[tilespmem:s16], [sflag:$0x1] =	stream.strided.gather @!p1 [hbm4b:s15+s17], $0x2000, s18, s17, $0x38;
	[tilespmem:$0x8080] =	vst v63  }
0x25: {  	p1 =	sge.u32 s31, s5  }
.Ltmp2:
0x26: {  	_ = 	snop;
	(pc) =	sbr.rel @p1 .LBB1_5-.Ltmp2, $1  }
0x27: {  	_ =	sdelay $0x3  }
0x28: {  	s15 =	simm.s32 $0x1  }
0x29: {  	_ =	swait.ge [sflag:s4], $0x2000;
	s15 =	simm.s32 @!p0 $0x0  }
0x2a: {  	[sflag:s4] =	ssyncset.done $0x0;
	s16 =	sshll.u32 s15, $0xD  }
0x2b: {  	[sflag:s4] =	ssyncadd.s32 $0xFFFFE000;
	s19 =	sor.u32 $0x20, s16  }
0x2c: {  	s15 =	smul.u32 $0x8100, s15;
	v3 =	vld [tilespmem:s19+$0x10]  }
0x2d: {  	s30 =	sand.u32 $0x1, s12;
	v2 =	vld [tilespmem:s19+$0xFFFFFFF0]  }
0x2e: {  	s16 =	smul.u32 $0x8100, s30;
	s15 =	sshrl.u32 s15, $0x2;
	v0 =	vld [tilespmem:s19+$0x0]  }
0x2f: {  	v1 =	vld [tilespmem:s19+$0xFFFFFFE0];
	s17 =	sor.u32 $0x4000, s15  }
0x30: {  	s31 =	sshrl.u32 s16, $0x2;
	s16 =	sadd.s32 $0x0, s17  }
0x31: {  	s18 =	simm.s32 $0x4;
	s19 =	sadd.s32 $0x40, s19;
	s15 =	sor.u32 $0x4000, s31;
	[tilespmem:s16+$0x1830 ss:$0x81] =	vst.msk $0xffff, v3  }
.LBB1_3:
0x32: {  	v3 =	vld [tilespmem:s19+$0x10];
	p1 =	sne.s32 s18, $0x1FC;
	[tilespmem:s16+$0x810 ss:$0x81] =	vst.msk $0xffff, v2;
	s20 =	smov.u32 s18;
	s18 =	sadd.s32 $0x4, s18  }
.Ltmp3:
0x33: {  	v2 =	vld [tilespmem:s19+$0xFFFFFFF0];
	[tilespmem:s16+$0x1020 ss:$0x81] =	vst.msk $0xffff, v0;
	(pc) =	sbr.rel @p1 .LBB1_3-.Ltmp3, $4  }
0x34: {  	v0 =	vld [tilespmem:s19+$0x0];
	[tilespmem:s16+$0x0 ss:$0x81] =	vst.msk $0xffff, v1  }
0x35: {  	s16 =	sshra.s32 s20, $0x2;
	v1 =	vld [tilespmem:s19+$0xFFFFFFE0]  }
0x36: {  	s16 =	sadd.s32 s16, s17  }
0x37: {  	s19 =	sadd.s32 $0x40, s19;
	[tilespmem:s16+$0x1830 ss:$0x81] =	vst.msk $0xffff, v3  }
.Ltmp4:
0x38: {  	_ = 	snop;
	(pc) =	sbr.rel .LBB1_4-.Ltmp4, $1  }
0x39: {  	_ =	sdelay $0x3  }
.LBB1_6:
0x3a: {  	_ =	sfence.sel $0x180000  }
0x3b: {  	s2 =	simm.s32 $0x1;
	[bflag:$0x0] =	sbarrier.arrive $0xFFFF  }
0x3c: {  	s31 =	simm.s32 $0x2;
	[sflag:s2] =	ssyncpa.u1 $0x1  }
0x3d: {  	[sflag:s31] =	ssyncpa.u1 $0x1  }
0x3e: {  	p0 =	sne.s32 s0, $0x0;
	_ =	strace $0x9000004A  }
0x3f: {  	s0 =	sadd.s32 @!p0 $0x100000, s1;
	[bflag:$0x2] =	sbarrier.arrive $0xFFFF  }
0x40: {  	[sflag:s0] =	ssyncadd.tile.s32 @!p0 $0x1;
	_ =	shalt  }
.Lfunc_end1:
_tile_overlayer_lowered:
.L_overlay_start_2:
0x41: {  	(tag) =	ssettag $0x2  }
0x42: {  	s0 =	rddreg [dreg:$0x0];
	s2 =	stileid.u32  }
0x43: {  	s1 =	rddreg [dreg:$0x1];
	p0 =	sne.s32 s2, $0x0  }
0x44: {  	s3 =	rddreg [dreg:$0x2];
	[bflag:$0x3] =	sbarrier.arrive $0xFFFF;
	s2 =	simm.s32 @!p0 $0x1C01  }
0x45: {  	[timem:s3], [sflag:s2] =	dma.local @!p0 [hbm:s0], s1  }
0x46: {  	s0 =	simm.s32 @!p0 $0x1  }
0x47: {  	_ =	swait.ge @!p0 [sflag:s0], s1  }
0x48: {  	s1 =	ssub.s32 @!p0 $0x0, s1;
	[sflag:s0] =	ssyncset.done @!p0 $0x0  }
0x49: {  	[sflag:s0] =	ssyncadd.s32 @!p0 s1  }
0x4a: {  	[bflag:$0x3] =	sbarrier.arrive $0xFFFF  }
0x4b: {  	_ =	shalt  }

</sc_bundles>
